<compile_context>
chip_gen: v7x
topology: tpu7x:2x2x1
jax: 0.10.2.dev20260603
libtpu: 0.0.44.dev20260713+nightly
codegen_flags: <defaults>
</compile_context>

<pallas_src>
import functools

import jax
import jax.numpy as jnp
from jax import lax
from jax.experimental import pallas as pl
from jax.experimental.pallas import tpu as pltpu
from jax.experimental.pallas import tpu_sc as plsc

B = 16384
D = 64

_info = plsc.get_sparse_core_info()
_NC, _NS, _L = _info.num_cores, _info.num_subcores, _info.num_lanes
_NW = _NC * _NS
_BPW = B // _NW
_CHUNK = 128
_NCHUNK = _BPW // _CHUNK


def _lane_take(x, idx):
    dnums = lax.GatherDimensionNumbers(
        offset_dims=(), collapsed_slice_dims=(0,), start_index_map=(0,))
    return lax.gather(x, idx[:, None], dnums, (1,),
                      mode=lax.GatherScatterMode.PROMISE_IN_BOUNDS)


def _normalize_rows(rows_ref, n_rows):

    lanes = lax.iota(jnp.int32, _L)
    perms = [lanes ^ sh for sh in (8, 4, 2, 1)]

    def body(r, carry):
        v0 = rows_ref[r, pl.ds(0, _L)]
        v1 = rows_ref[r, pl.ds(_L, _L)]
        v2 = rows_ref[r, pl.ds(2 * _L, _L)]
        v3 = rows_ref[r, pl.ds(3 * _L, _L)]
        ss = v0 * v0 + v1 * v1 + v2 * v2 + v3 * v3
        for p in perms:
            ss = ss + _lane_take(ss, p)
        s = ss
        i = lax.bitcast_convert_type(s, jnp.int32)
        y = lax.bitcast_convert_type(0x5F3759DF - (i >> 1), jnp.float32)
        nhalf = s * (-0.5)
        for _ in range(3):
            y = y * (1.5 + nhalf * y * y)
        rows_ref[r, pl.ds(0, _L)] = v0 * y
        rows_ref[r, pl.ds(_L, _L)] = v1 * y
        rows_ref[r, pl.ds(2 * _L, _L)] = v2 * y
        rows_ref[r, pl.ds(3 * _L, _L)] = v3 * y
        return carry

    lax.fori_loop(0, n_rows, body, 0)


def _sc_body(
    u_idx_hbm, p_idx_hbm, n_idx_hbm,
    user_table, item_table, user_bias, item_bias,
    out_ue, out_pe, out_ne, out_ub, out_pb, out_nb,
    idx_u, idx_p, idx_n,
    rows_u, rows_p, rows_n,
    b_u, b_p, b_n,
    sem_u, sem_p, sem_n, sem_b,
):
    wid = lax.axis_index("s") * _NC + lax.axis_index("c")
    base = wid * _BPW
    crow = wid * _NCHUNK

    pltpu.sync_copy(u_idx_hbm.at[pl.ds(crow, _NCHUNK)], idx_u)
    pltpu.sync_copy(p_idx_hbm.at[pl.ds(crow, _NCHUNK)], idx_p)
    pltpu.sync_copy(n_idx_hbm.at[pl.ds(crow, _NCHUNK)], idx_n)

    waits_u, waits_p, waits_n, waits_b = [], [], [], []
    for j in range(_NCHUNK):
        dst = pl.ds(j * _CHUNK, _CHUNK)
        waits_u.append(pltpu.async_copy(
            user_table.at[idx_u.at[j]], rows_u.at[dst], sem_u))
        waits_p.append(pltpu.async_copy(
            item_table.at[idx_p.at[j]], rows_p.at[dst], sem_p))
        waits_n.append(pltpu.async_copy(
            item_table.at[idx_n.at[j]], rows_n.at[dst], sem_n))
        waits_b.append(pltpu.async_copy(
            user_bias.at[idx_u.at[j]], b_u.at[dst], sem_b))
        waits_b.append(pltpu.async_copy(
            item_bias.at[idx_p.at[j]], b_p.at[dst], sem_b))
        waits_b.append(pltpu.async_copy(
            item_bias.at[idx_n.at[j]], b_n.at[dst], sem_b))

    for w in waits_u:
        w.wait()
    _normalize_rows(rows_u, _BPW)
    for w in waits_p:
        w.wait()
    _normalize_rows(rows_p, _BPW)
    for w in waits_n:
        w.wait()
    _normalize_rows(rows_n, _BPW)
    for w in waits_b:
        w.wait()

    obase = pl.ds(base, _BPW)
    pltpu.sync_copy(rows_u, out_ue.at[obase])
    pltpu.sync_copy(rows_p, out_pe.at[obase])
    pltpu.sync_copy(rows_n, out_ne.at[obase])
    pltpu.sync_copy(b_u, out_ub.at[obase])
    pltpu.sync_copy(b_p, out_pb.at[obase])
    pltpu.sync_copy(b_n, out_nb.at[obase])


_SQ_BLK = 8192


def _squeeze_body(in_ref, out_ref):
    out_ref[...] = in_ref[...].reshape(_SQ_BLK)


def _squeeze_tc(bias2d):
    n = bias2d.shape[0]
    grid = (n + _SQ_BLK - 1) // _SQ_BLK
    return pl.pallas_call(
        _squeeze_body,
        grid=(grid,),
        in_specs=[pl.BlockSpec((_SQ_BLK, 1), lambda i: (i, 0))],
        out_specs=pl.BlockSpec((_SQ_BLK,), lambda i: (i,)),
        out_shape=jax.ShapeDtypeStruct((n,), bias2d.dtype),
    )(bias2d)


@jax.jit
def _bpr_lookup(user2d, pos2d, neg2d, user_table, item_table,
                user_bias_table, item_bias_table):
    mesh = plsc.VectorSubcoreMesh(core_axis_name="c", subcore_axis_name="s")
    f32 = jnp.float32
    ub1d = _squeeze_tc(user_bias_table)
    ib1d = _squeeze_tc(item_bias_table)
    call = functools.partial(
        pl.kernel,
        mesh=mesh,
        compiler_params=pltpu.CompilerParams(use_tc_tiling_on_sc=False),
        out_type=[
            jax.ShapeDtypeStruct((B, D), f32),
            jax.ShapeDtypeStruct((B, D), f32),
            jax.ShapeDtypeStruct((B, D), f32),
            jax.ShapeDtypeStruct((B,), f32),
            jax.ShapeDtypeStruct((B,), f32),
            jax.ShapeDtypeStruct((B,), f32),
        ],
        scratch_types=[
            pltpu.VMEM((_NCHUNK, _CHUNK), jnp.int32),
            pltpu.VMEM((_NCHUNK, _CHUNK), jnp.int32),
            pltpu.VMEM((_NCHUNK, _CHUNK), jnp.int32),
            pltpu.VMEM((_BPW, D), f32),
            pltpu.VMEM((_BPW, D), f32),
            pltpu.VMEM((_BPW, D), f32),
            pltpu.VMEM((_BPW,), f32),
            pltpu.VMEM((_BPW,), f32),
            pltpu.VMEM((_BPW,), f32),
            pltpu.SemaphoreType.DMA,
            pltpu.SemaphoreType.DMA,
            pltpu.SemaphoreType.DMA,
            pltpu.SemaphoreType.DMA,
        ],
    )
    return call(_sc_body)(
        user2d, pos2d, neg2d,
        user_table, item_table, ub1d, ib1d,
    )


def kernel(user, pos_item, neg_item, user_table, item_table,
           user_bias_table, item_bias_table):
    user2d = user.reshape(B // _CHUNK, _CHUNK)
    pos2d = pos_item.reshape(B // _CHUNK, _CHUNK)
    neg2d = neg_item.reshape(B // _CHUNK, _CHUNK)
    ue, pe, ne, ub, pb, nb = _bpr_lookup(
        user2d, pos2d, neg2d, user_table, item_table,
        user_bias_table, item_bias_table)
    return (ue, pe, ne, ub, pb, nb)

# --- scband reference (transcript-rebuilt; emitter-appended) ---
"""Pipeline reference for scband-matrix-factorization-bpr-36206574305899 (READ-ONLY COPY).

The authoritative reference and input builder live on the scoring server;
editing this copy changes nothing except your own understanding.
"""

import jax, jax.numpy as jnp
import numpy as np

B = 16384
D = 64
NUM_USERS = 1000000
NUM_ITEMS = 1000000


def _l2_normalize(x, axis=1, eps=1e-12):
    # matches torch.nn.functional.normalize(p=2): x / max(||x||, eps)
    n = jnp.sqrt(jnp.sum(x * x, axis=axis, keepdims=True))
    return x / jnp.maximum(n, eps)


def setup_inputs(seed: int = 0) -> dict:
    key = jax.random.key(seed)
    ks = jax.random.split(key, 7)
    user = jax.random.randint(ks[0], (B,), 0, NUM_USERS, dtype=jnp.int64 if jax.config.jax_enable_x64 else jnp.int32).astype(jnp.int32)
    pos_item = jax.random.randint(ks[1], (B,), 0, NUM_ITEMS).astype(jnp.int32)
    neg_item = jax.random.randint(ks[2], (B,), 0, NUM_ITEMS).astype(jnp.int32)
    user_table = (jax.random.normal(ks[3], (NUM_USERS + 1, D), dtype=jnp.float32) * 0.02).at[0].set(0.0)
    item_table = (jax.random.normal(ks[4], (NUM_ITEMS + 1, D), dtype=jnp.float32) * 0.02).at[0].set(0.0)
    user_bias_table = (jax.random.normal(ks[5], (NUM_USERS + 1, 1), dtype=jnp.float32) * 0.02).at[0].set(0.0)
    item_bias_table = (jax.random.normal(ks[6], (NUM_ITEMS + 1, 1), dtype=jnp.float32) * 0.02).at[0].set(0.0)
    return {
        "user": user,
        "pos_item": pos_item,
        "neg_item": neg_item,
        "user_table": user_table,
        "item_table": item_table,
        "user_bias_table": user_bias_table,
        "item_bias_table": item_bias_table,
    }


def reference(user, pos_item, neg_item, user_table, item_table, user_bias_table, item_bias_table):
    user_emb = jnp.take(user_table, user, axis=0)
    pos_item_emb = jnp.take(item_table, pos_item, axis=0)
    neg_item_emb = jnp.take(item_table, neg_item, axis=0)
    user_emb = _l2_normalize(user_emb, axis=1)
    pos_item_emb = _l2_normalize(pos_item_emb, axis=1)
    neg_item_emb = _l2_normalize(neg_item_emb, axis=1)
    user_bias = jnp.squeeze(jnp.take(user_bias_table, user, axis=0), axis=-1)
    pos_item_bias = jnp.squeeze(jnp.take(item_bias_table, pos_item, axis=0), axis=-1)
    neg_item_bias = jnp.squeeze(jnp.take(item_bias_table, neg_item, axis=0), axis=-1)
    return (user_emb, pos_item_emb, neg_item_emb, user_bias, pos_item_bias, neg_item_bias)

if __name__ == "__main__":
    import jax
    _d = setup_inputs()
    print(jax.jit(kernel)(*tuple(_d.values())))

</pallas_src>

<mosaic_0001>
#map = affine_map<(d0, d1) -> (0, 0)>
#map1 = affine_map<(d0, d1) -> (0)>
module attributes {stable_mosaic.version = 14 : i64} {
  func.func @_sc_body(%arg0: i32, %arg1: i32, %arg2: memref<128x128xi32, #tpu.memory_space<hbm>>, %arg3: memref<128x128xi32, #tpu.memory_space<hbm>>, %arg4: memref<128x128xi32, #tpu.memory_space<hbm>>, %arg5: memref<1000001x64xf32, #tpu.memory_space<hbm>>, %arg6: memref<1000001x64xf32, #tpu.memory_space<hbm>>, %arg7: memref<1000001xf32, #tpu.memory_space<hbm>>, %arg8: memref<1000001xf32, #tpu.memory_space<hbm>>, %arg9: memref<16384x64xf32, #tpu.memory_space<hbm>>, %arg10: memref<16384x64xf32, #tpu.memory_space<hbm>>, %arg11: memref<16384x64xf32, #tpu.memory_space<hbm>>, %arg12: memref<16384xf32, #tpu.memory_space<hbm>>, %arg13: memref<16384xf32, #tpu.memory_space<hbm>>, %arg14: memref<16384xf32, #tpu.memory_space<hbm>>, %arg15: memref<4x128xi32, #tpu.memory_space<vmem>>, %arg16: memref<4x128xi32, #tpu.memory_space<vmem>>, %arg17: memref<4x128xi32, #tpu.memory_space<vmem>>, %arg18: memref<512x64xf32, #tpu.memory_space<vmem>>, %arg19: memref<512x64xf32, #tpu.memory_space<vmem>>, %arg20: memref<512x64xf32, #tpu.memory_space<vmem>>, %arg21: memref<512xf32, #tpu.memory_space<vmem>>, %arg22: memref<512xf32, #tpu.memory_space<vmem>>, %arg23: memref<512xf32, #tpu.memory_space<vmem>>, %arg24: memref<!tpu.dma_semaphore, #tpu.memory_space<semaphore_mem>>, %arg25: memref<!tpu.dma_semaphore, #tpu.memory_space<semaphore_mem>>, %arg26: memref<!tpu.dma_semaphore, #tpu.memory_space<semaphore_mem>>, %arg27: memref<!tpu.dma_semaphore, #tpu.memory_space<semaphore_mem>>) attributes {dimension_semantics = [#tpu.dimension_semantics<core_parallel>, #tpu.dimension_semantics<subcore_parallel>], iteration_bounds = array<i64: 2, 16>, scalar_prefetch = 0 : i64, scratch_operands = 13 : i64, tpu.core_type = #tpu.core_type<sc_vector_subcore>, window_params = [{transform_indices = #map}, {transform_indices = #map}, {transform_indices = #map}, {transform_indices = #map}, {transform_indices = #map}, {transform_indices = #map1}, {transform_indices = #map1}, {transform_indices = #map}, {transform_indices = #map}, {transform_indices = #map}, {transform_indices = #map1}, {transform_indices = #map1}, {transform_indices = #map1}]} {
    %mul3A = arith.constant 2 : i32
    %mul3A_0 = arith.muli %arg1, %mul3A : i32
    %add3A = arith.addi %mul3A_0, %arg0 : i32
    %mul3A_1 = arith.constant 512 : i32
    %mul3A_2 = arith.muli %add3A, %mul3A_1 : i32
    %mul3A_3 = arith.constant 4 : i32
    %mul3A_4 = arith.muli %add3A, %mul3A_3 : i32
    "tpu.region"() ({
      %run_scoped3A = tpu.sem_alloc : memref<!tpu.dma_semaphore, #tpu.memory_space<semaphore_mem>>
      %dma_start3A_489 = arith.constant 0 : i32
      %dma_start3A_490 = tpu.memref_slice %arg2[%mul3A_4, %dma_start3A_489] : memref<128x128xi32, #tpu.memory_space<hbm>> -> memref<4x128xi32, #tpu.memory_space<hbm>>
      %dma_start3A_491 = arith.constant 0 : i32
      %dma_start3A_492 = tpu.memref_slice %arg2[%mul3A_4, %dma_start3A_491] : memref<128x128xi32, #tpu.memory_space<hbm>> -> memref<4x128xi32, #tpu.memory_space<hbm>>
      tpu.enqueue_dma source(%dma_start3A_492 : memref<4x128xi32, #tpu.memory_space<hbm>>) target(%arg15 : memref<4x128xi32, #tpu.memory_space<vmem>>) target_semaphore(%run_scoped3A : memref<!tpu.dma_semaphore, #tpu.memory_space<semaphore_mem>>)
      %dma_wait3A_493 = arith.constant 0 : i32
      %dma_wait3A_494 = tpu.memref_slice %arg2[%mul3A_4, %dma_wait3A_493] : memref<128x128xi32, #tpu.memory_space<hbm>> -> memref<4x128xi32, #tpu.memory_space<hbm>>
      %dma_wait3A_495 = arith.constant 0 : i32
      %dma_wait3A_496 = tpu.memref_slice %arg2[%mul3A_4, %dma_wait3A_495] : memref<128x128xi32, #tpu.memory_space<hbm>> -> memref<4x128xi32, #tpu.memory_space<hbm>>
      tpu.wait_dma2 semaphore(%run_scoped3A : memref<!tpu.dma_semaphore, #tpu.memory_space<semaphore_mem>>) src(%dma_wait3A_496 : memref<4x128xi32, #tpu.memory_space<hbm>>) dst(%arg15 : memref<4x128xi32, #tpu.memory_space<vmem>>)
      tpu.yield
    }) : () -> ()
    "tpu.region"() ({
      %run_scoped3A = tpu.sem_alloc : memref<!tpu.dma_semaphore, #tpu.memory_space<semaphore_mem>>
      %dma_start3A_489 = arith.constant 0 : i32
      %dma_start3A_490 = tpu.memref_slice %arg3[%mul3A_4, %dma_start3A_489] : memref<128x128xi32, #tpu.memory_space<hbm>> -> memref<4x128xi32, #tpu.memory_space<hbm>>
      %dma_start3A_491 = arith.constant 0 : i32
      %dma_start3A_492 = tpu.memref_slice %arg3[%mul3A_4, %dma_start3A_491] : memref<128x128xi32, #tpu.memory_space<hbm>> -> memref<4x128xi32, #tpu.memory_space<hbm>>
      tpu.enqueue_dma source(%dma_start3A_492 : memref<4x128xi32, #tpu.memory_space<hbm>>) target(%arg16 : memref<4x128xi32, #tpu.memory_space<vmem>>) target_semaphore(%run_scoped3A : memref<!tpu.dma_semaphore, #tpu.memory_space<semaphore_mem>>)
      %dma_wait3A_493 = arith.constant 0 : i32
      %dma_wait3A_494 = tpu.memref_slice %arg3[%mul3A_4, %dma_wait3A_493] : memref<128x128xi32, #tpu.memory_space<hbm>> -> memref<4x128xi32, #tpu.memory_space<hbm>>
      %dma_wait3A_495 = arith.constant 0 : i32
      %dma_wait3A_496 = tpu.memref_slice %arg3[%mul3A_4, %dma_wait3A_495] : memref<128x128xi32, #tpu.memory_space<hbm>> -> memref<4x128xi32, #tpu.memory_space<hbm>>
      tpu.wait_dma2 semaphore(%run_scoped3A : memref<!tpu.dma_semaphore, #tpu.memory_space<semaphore_mem>>) src(%dma_wait3A_496 : memref<4x128xi32, #tpu.memory_space<hbm>>) dst(%arg16 : memref<4x128xi32, #tpu.memory_space<vmem>>)
      tpu.yield
    }) : () -> ()
    "tpu.region"() ({
      %run_scoped3A = tpu.sem_alloc : memref<!tpu.dma_semaphore, #tpu.memory_space<semaphore_mem>>
      %dma_start3A_489 = arith.constant 0 : i32
      %dma_start3A_490 = tpu.memref_slice %arg4[%mul3A_4, %dma_start3A_489] : memref<128x128xi32, #tpu.memory_space<hbm>> -> memref<4x128xi32, #tpu.memory_space<hbm>>
      %dma_start3A_491 = arith.constant 0 : i32
      %dma_start3A_492 = tpu.memref_slice %arg4[%mul3A_4, %dma_start3A_491] : memref<128x128xi32, #tpu.memory_space<hbm>> -> memref<4x128xi32, #tpu.memory_space<hbm>>
      tpu.enqueue_dma source(%dma_start3A_492 : memref<4x128xi32, #tpu.memory_space<hbm>>) target(%arg17 : memref<4x128xi32, #tpu.memory_space<vmem>>) target_semaphore(%run_scoped3A : memref<!tpu.dma_semaphore, #tpu.memory_space<semaphore_mem>>)
      %dma_wait3A_493 = arith.constant 0 : i32
      %dma_wait3A_494 = tpu.memref_slice %arg4[%mul3A_4, %dma_wait3A_493] : memref<128x128xi32, #tpu.memory_space<hbm>> -> memref<4x128xi32, #tpu.memory_space<hbm>>
      %dma_wait3A_495 = arith.constant 0 : i32
      %dma_wait3A_496 = tpu.memref_slice %arg4[%mul3A_4, %dma_wait3A_495] : memref<128x128xi32, #tpu.memory_space<hbm>> -> memref<4x128xi32, #tpu.memory_space<hbm>>
      tpu.wait_dma2 semaphore(%run_scoped3A : memref<!tpu.dma_semaphore, #tpu.memory_space<semaphore_mem>>) src(%dma_wait3A_496 : memref<4x128xi32, #tpu.memory_space<hbm>>) dst(%arg17 : memref<4x128xi32, #tpu.memory_space<vmem>>)
      tpu.yield
    }) : () -> ()
    %dma_start3A = arith.constant 0 : i32
    %dma_start3A_5 = arith.constant 0 : i32
    %dma_start3A_6 = arith.constant 0 : i32
    %dma_start3A_7 = tpu.memref_slice %arg18[%dma_start3A_5, %dma_start3A_6] : memref<512x64xf32, #tpu.memory_space<vmem>> -> memref<128x64xf32, #tpu.memory_space<vmem>>
    %dma_start3A_8 = arith.constant 0 : i32
    %dma_start3A_9 = tpu.memref_slice %arg15[%dma_start3A, %dma_start3A_8] : memref<4x128xi32, #tpu.memory_space<vmem>> -> memref<1x128xi32, #tpu.memory_space<vmem>>
    %dma_start3A_10 = tpu.memref_squeeze %dma_start3A_9 : memref<1x128xi32, #tpu.memory_space<vmem>> -> memref<128xi32, #tpu.memory_space<vmem>>
    %dma_start3A_11 = arith.constant 0 : i32
    %dma_start3A_12 = arith.constant 0 : i32
    %dma_start3A_13 = tpu.memref_slice %arg5[%dma_start3A_11, %dma_start3A_12] : memref<1000001x64xf32, #tpu.memory_space<hbm>> -> memref<1000001x64xf32, #tpu.memory_space<hbm>>
    tpu.enqueue_indirect_dma source(%dma_start3A_13 : memref<1000001x64xf32, #tpu.memory_space<hbm>>) target(%dma_start3A_7 : memref<128x64xf32, #tpu.memory_space<vmem>>) offsets(%dma_start3A_10 : memref<128xi32, #tpu.memory_space<vmem>>) semaphore(%arg24 : memref<!tpu.dma_semaphore, #tpu.memory_space<semaphore_mem>>)
    %dma_start3A_14 = arith.constant 0 : i32
    %dma_start3A_15 = arith.constant 0 : i32
    %dma_start3A_16 = arith.constant 0 : i32
    %dma_start3A_17 = tpu.memref_slice %arg19[%dma_start3A_15, %dma_start3A_16] : memref<512x64xf32, #tpu.memory_space<vmem>> -> memref<128x64xf32, #tpu.memory_space<vmem>>
    %dma_start3A_18 = arith.constant 0 : i32
    %dma_start3A_19 = tpu.memref_slice %arg16[%dma_start3A_14, %dma_start3A_18] : memref<4x128xi32, #tpu.memory_space<vmem>> -> memref<1x128xi32, #tpu.memory_space<vmem>>
    %dma_start3A_20 = tpu.memref_squeeze %dma_start3A_19 : memref<1x128xi32, #tpu.memory_space<vmem>> -> memref<128xi32, #tpu.memory_space<vmem>>
    %dma_start3A_21 = arith.constant 0 : i32
    %dma_start3A_22 = arith.constant 0 : i32
    %dma_start3A_23 = tpu.memref_slice %arg6[%dma_start3A_21, %dma_start3A_22] : memref<1000001x64xf32, #tpu.memory_space<hbm>> -> memref<1000001x64xf32, #tpu.memory_space<hbm>>
    tpu.enqueue_indirect_dma source(%dma_start3A_23 : memref<1000001x64xf32, #tpu.memory_space<hbm>>) target(%dma_start3A_17 : memref<128x64xf32, #tpu.memory_space<vmem>>) offsets(%dma_start3A_20 : memref<128xi32, #tpu.memory_space<vmem>>) semaphore(%arg25 : memref<!tpu.dma_semaphore, #tpu.memory_space<semaphore_mem>>)
    %dma_start3A_24 = arith.constant 0 : i32
    %dma_start3A_25 = arith.constant 0 : i32
    %dma_start3A_26 = arith.constant 0 : i32
    %dma_start3A_27 = tpu.memref_slice %arg20[%dma_start3A_25, %dma_start3A_26] : memref<512x64xf32, #tpu.memory_space<vmem>> -> memref<128x64xf32, #tpu.memory_space<vmem>>
    %dma_start3A_28 = arith.constant 0 : i32
    %dma_start3A_29 = tpu.memref_slice %arg17[%dma_start3A_24, %dma_start3A_28] : memref<4x128xi32, #tpu.memory_space<vmem>> -> memref<1x128xi32, #tpu.memory_space<vmem>>
    %dma_start3A_30 = tpu.memref_squeeze %dma_start3A_29 : memref<1x128xi32, #tpu.memory_space<vmem>> -> memref<128xi32, #tpu.memory_space<vmem>>
    %dma_start3A_31 = arith.constant 0 : i32
    %dma_start3A_32 = arith.constant 0 : i32
    %dma_start3A_33 = tpu.memref_slice %arg6[%dma_start3A_31, %dma_start3A_32] : memref<1000001x64xf32, #tpu.memory_space<hbm>> -> memref<1000001x64xf32, #tpu.memory_space<hbm>>
    tpu.enqueue_indirect_dma source(%dma_start3A_33 : memref<1000001x64xf32, #tpu.memory_space<hbm>>) target(%dma_start3A_27 : memref<128x64xf32, #tpu.memory_space<vmem>>) offsets(%dma_start3A_30 : memref<128xi32, #tpu.memory_space<vmem>>) semaphore(%arg26 : memref<!tpu.dma_semaphore, #tpu.memory_space<semaphore_mem>>)
    %dma_start3A_34 = arith.constant 0 : i32
    %dma_start3A_35 = arith.constant 0 : i32
    %dma_start3A_36 = tpu.memref_slice %arg21[%dma_start3A_35] : memref<512xf32, #tpu.memory_space<vmem>> -> memref<128xf32, #tpu.memory_space<vmem>>
    %dma_start3A_37 = arith.constant 0 : i32
    %dma_start3A_38 = tpu.memref_slice %arg15[%dma_start3A_34, %dma_start3A_37] : memref<4x128xi32, #tpu.memory_space<vmem>> -> memref<1x128xi32, #tpu.memory_space<vmem>>
    %dma_start3A_39 = tpu.memref_squeeze %dma_start3A_38 : memref<1x128xi32, #tpu.memory_space<vmem>> -> memref<128xi32, #tpu.memory_space<vmem>>
    %dma_start3A_40 = arith.constant 0 : i32
    %dma_start3A_41 = tpu.memref_slice %arg7[%dma_start3A_40] : memref<1000001xf32, #tpu.memory_space<hbm>> -> memref<1000001xf32, #tpu.memory_space<hbm>>
    tpu.enqueue_indirect_dma source(%dma_start3A_41 : memref<1000001xf32, #tpu.memory_space<hbm>>) target(%dma_start3A_36 : memref<128xf32, #tpu.memory_space<vmem>>) offsets(%dma_start3A_39 : memref<128xi32, #tpu.memory_space<vmem>>) semaphore(%arg27 : memref<!tpu.dma_semaphore, #tpu.memory_space<semaphore_mem>>)
    %dma_start3A_42 = arith.constant 0 : i32
    %dma_start3A_43 = arith.constant 0 : i32
    %dma_start3A_44 = tpu.memref_slice %arg22[%dma_start3A_43] : memref<512xf32, #tpu.memory_space<vmem>> -> memref<128xf32, #tpu.memory_space<vmem>>
    %dma_start3A_45 = arith.constant 0 : i32
    %dma_start3A_46 = tpu.memref_slice %arg16[%dma_start3A_42, %dma_start3A_45] : memref<4x128xi32, #tpu.memory_space<vmem>> -> memref<1x128xi32, #tpu.memory_space<vmem>>
    %dma_start3A_47 = tpu.memref_squeeze %dma_start3A_46 : memref<1x128xi32, #tpu.memory_space<vmem>> -> memref<128xi32, #tpu.memory_space<vmem>>
    %dma_start3A_48 = arith.constant 0 : i32
    %dma_start3A_49 = tpu.memref_slice %arg8[%dma_start3A_48] : memref<1000001xf32, #tpu.memory_space<hbm>> -> memref<1000001xf32, #tpu.memory_space<hbm>>
    tpu.enqueue_indirect_dma source(%dma_start3A_49 : memref<1000001xf32, #tpu.memory_space<hbm>>) target(%dma_start3A_44 : memref<128xf32, #tpu.memory_space<vmem>>) offsets(%dma_start3A_47 : memref<128xi32, #tpu.memory_space<vmem>>) semaphore(%arg27 : memref<!tpu.dma_semaphore, #tpu.memory_space<semaphore_mem>>)
    %dma_start3A_50 = arith.constant 0 : i32
    %dma_start3A_51 = arith.constant 0 : i32
    %dma_start3A_52 = tpu.memref_slice %arg23[%dma_start3A_51] : memref<512xf32, #tpu.memory_space<vmem>> -> memref<128xf32, #tpu.memory_space<vmem>>
    %dma_start3A_53 = arith.constant 0 : i32
    %dma_start3A_54 = tpu.memref_slice %arg17[%dma_start3A_50, %dma_start3A_53] : memref<4x128xi32, #tpu.memory_space<vmem>> -> memref<1x128xi32, #tpu.memory_space<vmem>>
    %dma_start3A_55 = tpu.memref_squeeze %dma_start3A_54 : memref<1x128xi32, #tpu.memory_space<vmem>> -> memref<128xi32, #tpu.memory_space<vmem>>
    %dma_start3A_56 = arith.constant 0 : i32
    %dma_start3A_57 = tpu.memref_slice %arg8[%dma_start3A_56] : memref<1000001xf32, #tpu.memory_space<hbm>> -> memref<1000001xf32, #tpu.memory_space<hbm>>
    tpu.enqueue_indirect_dma source(%dma_start3A_57 : memref<1000001xf32, #tpu.memory_space<hbm>>) target(%dma_start3A_52 : memref<128xf32, #tpu.memory_space<vmem>>) offsets(%dma_start3A_55 : memref<128xi32, #tpu.memory_space<vmem>>) semaphore(%arg27 : memref<!tpu.dma_semaphore, #tpu.memory_space<semaphore_mem>>)
    %dma_start3A_58 = arith.constant 1 : i32
    %dma_start3A_59 = arith.constant 128 : i32
    %dma_start3A_60 = arith.constant 0 : i32
    %dma_start3A_61 = tpu.memref_slice %arg18[%dma_start3A_59, %dma_start3A_60] : memref<512x64xf32, #tpu.memory_space<vmem>> -> memref<128x64xf32, #tpu.memory_space<vmem>>
    %dma_start3A_62 = arith.constant 0 : i32
    %dma_start3A_63 = tpu.memref_slice %arg15[%dma_start3A_58, %dma_start3A_62] : memref<4x128xi32, #tpu.memory_space<vmem>> -> memref<1x128xi32, #tpu.memory_space<vmem>>
    %dma_start3A_64 = tpu.memref_squeeze %dma_start3A_63 : memref<1x128xi32, #tpu.memory_space<vmem>> -> memref<128xi32, #tpu.memory_space<vmem>>
    %dma_start3A_65 = arith.constant 0 : i32
    %dma_start3A_66 = arith.constant 0 : i32
    %dma_start3A_67 = tpu.memref_slice %arg5[%dma_start3A_65, %dma_start3A_66] : memref<1000001x64xf32, #tpu.memory_space<hbm>> -> memref<1000001x64xf32, #tpu.memory_space<hbm>>
    tpu.enqueue_indirect_dma source(%dma_start3A_67 : memref<1000001x64xf32, #tpu.memory_space<hbm>>) target(%dma_start3A_61 : memref<128x64xf32, #tpu.memory_space<vmem>>) offsets(%dma_start3A_64 : memref<128xi32, #tpu.memory_space<vmem>>) semaphore(%arg24 : memref<!tpu.dma_semaphore, #tpu.memory_space<semaphore_mem>>)
    %dma_start3A_68 = arith.constant 1 : i32
    %dma_start3A_69 = arith.constant 128 : i32
    %dma_start3A_70 = arith.constant 0 : i32
    %dma_start3A_71 = tpu.memref_slice %arg19[%dma_start3A_69, %dma_start3A_70] : memref<512x64xf32, #tpu.memory_space<vmem>> -> memref<128x64xf32, #tpu.memory_space<vmem>>
    %dma_start3A_72 = arith.constant 0 : i32
    %dma_start3A_73 = tpu.memref_slice %arg16[%dma_start3A_68, %dma_start3A_72] : memref<4x128xi32, #tpu.memory_space<vmem>> -> memref<1x128xi32, #tpu.memory_space<vmem>>
    %dma_start3A_74 = tpu.memref_squeeze %dma_start3A_73 : memref<1x128xi32, #tpu.memory_space<vmem>> -> memref<128xi32, #tpu.memory_space<vmem>>
    %dma_start3A_75 = arith.constant 0 : i32
    %dma_start3A_76 = arith.constant 0 : i32
    %dma_start3A_77 = tpu.memref_slice %arg6[%dma_start3A_75, %dma_start3A_76] : memref<1000001x64xf32, #tpu.memory_space<hbm>> -> memref<1000001x64xf32, #tpu.memory_space<hbm>>
    tpu.enqueue_indirect_dma source(%dma_start3A_77 : memref<1000001x64xf32, #tpu.memory_space<hbm>>) target(%dma_start3A_71 : memref<128x64xf32, #tpu.memory_space<vmem>>) offsets(%dma_start3A_74 : memref<128xi32, #tpu.memory_space<vmem>>) semaphore(%arg25 : memref<!tpu.dma_semaphore, #tpu.memory_space<semaphore_mem>>)
    %dma_start3A_78 = arith.constant 1 : i32
    %dma_start3A_79 = arith.constant 128 : i32
    %dma_start3A_80 = arith.constant 0 : i32
    %dma_start3A_81 = tpu.memref_slice %arg20[%dma_start3A_79, %dma_start3A_80] : memref<512x64xf32, #tpu.memory_space<vmem>> -> memref<128x64xf32, #tpu.memory_space<vmem>>
    %dma_start3A_82 = arith.constant 0 : i32
    %dma_start3A_83 = tpu.memref_slice %arg17[%dma_start3A_78, %dma_start3A_82] : memref<4x128xi32, #tpu.memory_space<vmem>> -> memref<1x128xi32, #tpu.memory_space<vmem>>
    %dma_start3A_84 = tpu.memref_squeeze %dma_start3A_83 : memref<1x128xi32, #tpu.memory_space<vmem>> -> memref<128xi32, #tpu.memory_space<vmem>>
    %dma_start3A_85 = arith.constant 0 : i32
    %dma_start3A_86 = arith.constant 0 : i32
    %dma_start3A_87 = tpu.memref_slice %arg6[%dma_start3A_85, %dma_start3A_86] : memref<1000001x64xf32, #tpu.memory_space<hbm>> -> memref<1000001x64xf32, #tpu.memory_space<hbm>>
    tpu.enqueue_indirect_dma source(%dma_start3A_87 : memref<1000001x64xf32, #tpu.memory_space<hbm>>) target(%dma_start3A_81 : memref<128x64xf32, #tpu.memory_space<vmem>>) offsets(%dma_start3A_84 : memref<128xi32, #tpu.memory_space<vmem>>) semaphore(%arg26 : memref<!tpu.dma_semaphore, #tpu.memory_space<semaphore_mem>>)
    %dma_start3A_88 = arith.constant 1 : i32
    %dma_start3A_89 = arith.constant 128 : i32
    %dma_start3A_90 = tpu.memref_slice %arg21[%dma_start3A_89] : memref<512xf32, #tpu.memory_space<vmem>> -> memref<128xf32, #tpu.memory_space<vmem>>
    %dma_start3A_91 = arith.constant 0 : i32
    %dma_start3A_92 = tpu.memref_slice %arg15[%dma_start3A_88, %dma_start3A_91] : memref<4x128xi32, #tpu.memory_space<vmem>> -> memref<1x128xi32, #tpu.memory_space<vmem>>
    %dma_start3A_93 = tpu.memref_squeeze %dma_start3A_92 : memref<1x128xi32, #tpu.memory_space<vmem>> -> memref<128xi32, #tpu.memory_space<vmem>>
    %dma_start3A_94 = arith.constant 0 : i32
    %dma_start3A_95 = tpu.memref_slice %arg7[%dma_start3A_94] : memref<1000001xf32, #tpu.memory_space<hbm>> -> memref<1000001xf32, #tpu.memory_space<hbm>>
    tpu.enqueue_indirect_dma source(%dma_start3A_95 : memref<1000001xf32, #tpu.memory_space<hbm>>) target(%dma_start3A_90 : memref<128xf32, #tpu.memory_space<vmem>>) offsets(%dma_start3A_93 : memref<128xi32, #tpu.memory_space<vmem>>) semaphore(%arg27 : memref<!tpu.dma_semaphore, #tpu.memory_space<semaphore_mem>>)
    %dma_start3A_96 = arith.constant 1 : i32
    %dma_start3A_97 = arith.constant 128 : i32
    %dma_start3A_98 = tpu.memref_slice %arg22[%dma_start3A_97] : memref<512xf32, #tpu.memory_space<vmem>> -> memref<128xf32, #tpu.memory_space<vmem>>
    %dma_start3A_99 = arith.constant 0 : i32
    %dma_start3A_100 = tpu.memref_slice %arg16[%dma_start3A_96, %dma_start3A_99] : memref<4x128xi32, #tpu.memory_space<vmem>> -> memref<1x128xi32, #tpu.memory_space<vmem>>
    %dma_start3A_101 = tpu.memref_squeeze %dma_start3A_100 : memref<1x128xi32, #tpu.memory_space<vmem>> -> memref<128xi32, #tpu.memory_space<vmem>>
    %dma_start3A_102 = arith.constant 0 : i32
    %dma_start3A_103 = tpu.memref_slice %arg8[%dma_start3A_102] : memref<1000001xf32, #tpu.memory_space<hbm>> -> memref<1000001xf32, #tpu.memory_space<hbm>>
    tpu.enqueue_indirect_dma source(%dma_start3A_103 : memref<1000001xf32, #tpu.memory_space<hbm>>) target(%dma_start3A_98 : memref<128xf32, #tpu.memory_space<vmem>>) offsets(%dma_start3A_101 : memref<128xi32, #tpu.memory_space<vmem>>) semaphore(%arg27 : memref<!tpu.dma_semaphore, #tpu.memory_space<semaphore_mem>>)
    %dma_start3A_104 = arith.constant 1 : i32
    %dma_start3A_105 = arith.constant 128 : i32
    %dma_start3A_106 = tpu.memref_slice %arg23[%dma_start3A_105] : memref<512xf32, #tpu.memory_space<vmem>> -> memref<128xf32, #tpu.memory_space<vmem>>
    %dma_start3A_107 = arith.constant 0 : i32
    %dma_start3A_108 = tpu.memref_slice %arg17[%dma_start3A_104, %dma_start3A_107] : memref<4x128xi32, #tpu.memory_space<vmem>> -> memref<1x128xi32, #tpu.memory_space<vmem>>
    %dma_start3A_109 = tpu.memref_squeeze %dma_start3A_108 : memref<1x128xi32, #tpu.memory_space<vmem>> -> memref<128xi32, #tpu.memory_space<vmem>>
    %dma_start3A_110 = arith.constant 0 : i32
    %dma_start3A_111 = tpu.memref_slice %arg8[%dma_start3A_110] : memref<1000001xf32, #tpu.memory_space<hbm>> -> memref<1000001xf32, #tpu.memory_space<hbm>>
    tpu.enqueue_indirect_dma source(%dma_start3A_111 : memref<1000001xf32, #tpu.memory_space<hbm>>) target(%dma_start3A_106 : memref<128xf32, #tpu.memory_space<vmem>>) offsets(%dma_start3A_109 : memref<128xi32, #tpu.memory_space<vmem>>) semaphore(%arg27 : memref<!tpu.dma_semaphore, #tpu.memory_space<semaphore_mem>>)
    %dma_start3A_112 = arith.constant 2 : i32
    %dma_start3A_113 = arith.constant 256 : i32
    %dma_start3A_114 = arith.constant 0 : i32
    %dma_start3A_115 = tpu.memref_slice %arg18[%dma_start3A_113, %dma_start3A_114] : memref<512x64xf32, #tpu.memory_space<vmem>> -> memref<128x64xf32, #tpu.memory_space<vmem>>
    %dma_start3A_116 = arith.constant 0 : i32
    %dma_start3A_117 = tpu.memref_slice %arg15[%dma_start3A_112, %dma_start3A_116] : memref<4x128xi32, #tpu.memory_space<vmem>> -> memref<1x128xi32, #tpu.memory_space<vmem>>
    %dma_start3A_118 = tpu.memref_squeeze %dma_start3A_117 : memref<1x128xi32, #tpu.memory_space<vmem>> -> memref<128xi32, #tpu.memory_space<vmem>>
    %dma_start3A_119 = arith.constant 0 : i32
    %dma_start3A_120 = arith.constant 0 : i32
    %dma_start3A_121 = tpu.memref_slice %arg5[%dma_start3A_119, %dma_start3A_120] : memref<1000001x64xf32, #tpu.memory_space<hbm>> -> memref<1000001x64xf32, #tpu.memory_space<hbm>>
    tpu.enqueue_indirect_dma source(%dma_start3A_121 : memref<1000001x64xf32, #tpu.memory_space<hbm>>) target(%dma_start3A_115 : memref<128x64xf32, #tpu.memory_space<vmem>>) offsets(%dma_start3A_118 : memref<128xi32, #tpu.memory_space<vmem>>) semaphore(%arg24 : memref<!tpu.dma_semaphore, #tpu.memory_space<semaphore_mem>>)
    %dma_start3A_122 = arith.constant 2 : i32
    %dma_start3A_123 = arith.constant 256 : i32
    %dma_start3A_124 = arith.constant 0 : i32
    %dma_start3A_125 = tpu.memref_slice %arg19[%dma_start3A_123, %dma_start3A_124] : memref<512x64xf32, #tpu.memory_space<vmem>> -> memref<128x64xf32, #tpu.memory_space<vmem>>
    %dma_start3A_126 = arith.constant 0 : i32
    %dma_start3A_127 = tpu.memref_slice %arg16[%dma_start3A_122, %dma_start3A_126] : memref<4x128xi32, #tpu.memory_space<vmem>> -> memref<1x128xi32, #tpu.memory_space<vmem>>
    %dma_start3A_128 = tpu.memref_squeeze %dma_start3A_127 : memref<1x128xi32, #tpu.memory_space<vmem>> -> memref<128xi32, #tpu.memory_space<vmem>>
    %dma_start3A_129 = arith.constant 0 : i32
    %dma_start3A_130 = arith.constant 0 : i32
    %dma_start3A_131 = tpu.memref_slice %arg6[%dma_start3A_129, %dma_start3A_130] : memref<1000001x64xf32, #tpu.memory_space<hbm>> -> memref<1000001x64xf32, #tpu.memory_space<hbm>>
    tpu.enqueue_indirect_dma source(%dma_start3A_131 : memref<1000001x64xf32, #tpu.memory_space<hbm>>) target(%dma_start3A_125 : memref<128x64xf32, #tpu.memory_space<vmem>>) offsets(%dma_start3A_128 : memref<128xi32, #tpu.memory_space<vmem>>) semaphore(%arg25 : memref<!tpu.dma_semaphore, #tpu.memory_space<semaphore_mem>>)
    %dma_start3A_132 = arith.constant 2 : i32
    %dma_start3A_133 = arith.constant 256 : i32
    %dma_start3A_134 = arith.constant 0 : i32
    %dma_start3A_135 = tpu.memref_slice %arg20[%dma_start3A_133, %dma_start3A_134] : memref<512x64xf32, #tpu.memory_space<vmem>> -> memref<128x64xf32, #tpu.memory_space<vmem>>
    %dma_start3A_136 = arith.constant 0 : i32
    %dma_start3A_137 = tpu.memref_slice %arg17[%dma_start3A_132, %dma_start3A_136] : memref<4x128xi32, #tpu.memory_space<vmem>> -> memref<1x128xi32, #tpu.memory_space<vmem>>
    %dma_start3A_138 = tpu.memref_squeeze %dma_start3A_137 : memref<1x128xi32, #tpu.memory_space<vmem>> -> memref<128xi32, #tpu.memory_space<vmem>>
    %dma_start3A_139 = arith.constant 0 : i32
    %dma_start3A_140 = arith.constant 0 : i32
    %dma_start3A_141 = tpu.memref_slice %arg6[%dma_start3A_139, %dma_start3A_140] : memref<1000001x64xf32, #tpu.memory_space<hbm>> -> memref<1000001x64xf32, #tpu.memory_space<hbm>>
    tpu.enqueue_indirect_dma source(%dma_start3A_141 : memref<1000001x64xf32, #tpu.memory_space<hbm>>) target(%dma_start3A_135 : memref<128x64xf32, #tpu.memory_space<vmem>>) offsets(%dma_start3A_138 : memref<128xi32, #tpu.memory_space<vmem>>) semaphore(%arg26 : memref<!tpu.dma_semaphore, #tpu.memory_space<semaphore_mem>>)
    %dma_start3A_142 = arith.constant 2 : i32
    %dma_start3A_143 = arith.constant 256 : i32
    %dma_start3A_144 = tpu.memref_slice %arg21[%dma_start3A_143] : memref<512xf32, #tpu.memory_space<vmem>> -> memref<128xf32, #tpu.memory_space<vmem>>
    %dma_start3A_145 = arith.constant 0 : i32
    %dma_start3A_146 = tpu.memref_slice %arg15[%dma_start3A_142, %dma_start3A_145] : memref<4x128xi32, #tpu.memory_space<vmem>> -> memref<1x128xi32, #tpu.memory_space<vmem>>
    %dma_start3A_147 = tpu.memref_squeeze %dma_start3A_146 : memref<1x128xi32, #tpu.memory_space<vmem>> -> memref<128xi32, #tpu.memory_space<vmem>>
    %dma_start3A_148 = arith.constant 0 : i32
    %dma_start3A_149 = tpu.memref_slice %arg7[%dma_start3A_148] : memref<1000001xf32, #tpu.memory_space<hbm>> -> memref<1000001xf32, #tpu.memory_space<hbm>>
    tpu.enqueue_indirect_dma source(%dma_start3A_149 : memref<1000001xf32, #tpu.memory_space<hbm>>) target(%dma_start3A_144 : memref<128xf32, #tpu.memory_space<vmem>>) offsets(%dma_start3A_147 : memref<128xi32, #tpu.memory_space<vmem>>) semaphore(%arg27 : memref<!tpu.dma_semaphore, #tpu.memory_space<semaphore_mem>>)
    %dma_start3A_150 = arith.constant 2 : i32
    %dma_start3A_151 = arith.constant 256 : i32
    %dma_start3A_152 = tpu.memref_slice %arg22[%dma_start3A_151] : memref<512xf32, #tpu.memory_space<vmem>> -> memref<128xf32, #tpu.memory_space<vmem>>
    %dma_start3A_153 = arith.constant 0 : i32
    %dma_start3A_154 = tpu.memref_slice %arg16[%dma_start3A_150, %dma_start3A_153] : memref<4x128xi32, #tpu.memory_space<vmem>> -> memref<1x128xi32, #tpu.memory_space<vmem>>
    %dma_start3A_155 = tpu.memref_squeeze %dma_start3A_154 : memref<1x128xi32, #tpu.memory_space<vmem>> -> memref<128xi32, #tpu.memory_space<vmem>>
    %dma_start3A_156 = arith.constant 0 : i32
    %dma_start3A_157 = tpu.memref_slice %arg8[%dma_start3A_156] : memref<1000001xf32, #tpu.memory_space<hbm>> -> memref<1000001xf32, #tpu.memory_space<hbm>>
    tpu.enqueue_indirect_dma source(%dma_start3A_157 : memref<1000001xf32, #tpu.memory_space<hbm>>) target(%dma_start3A_152 : memref<128xf32, #tpu.memory_space<vmem>>) offsets(%dma_start3A_155 : memref<128xi32, #tpu.memory_space<vmem>>) semaphore(%arg27 : memref<!tpu.dma_semaphore, #tpu.memory_space<semaphore_mem>>)
    %dma_start3A_158 = arith.constant 2 : i32
    %dma_start3A_159 = arith.constant 256 : i32
    %dma_start3A_160 = tpu.memref_slice %arg23[%dma_start3A_159] : memref<512xf32, #tpu.memory_space<vmem>> -> memref<128xf32, #tpu.memory_space<vmem>>
    %dma_start3A_161 = arith.constant 0 : i32
    %dma_start3A_162 = tpu.memref_slice %arg17[%dma_start3A_158, %dma_start3A_161] : memref<4x128xi32, #tpu.memory_space<vmem>> -> memref<1x128xi32, #tpu.memory_space<vmem>>
    %dma_start3A_163 = tpu.memref_squeeze %dma_start3A_162 : memref<1x128xi32, #tpu.memory_space<vmem>> -> memref<128xi32, #tpu.memory_space<vmem>>
    %dma_start3A_164 = arith.constant 0 : i32
    %dma_start3A_165 = tpu.memref_slice %arg8[%dma_start3A_164] : memref<1000001xf32, #tpu.memory_space<hbm>> -> memref<1000001xf32, #tpu.memory_space<hbm>>
    tpu.enqueue_indirect_dma source(%dma_start3A_165 : memref<1000001xf32, #tpu.memory_space<hbm>>) target(%dma_start3A_160 : memref<128xf32, #tpu.memory_space<vmem>>) offsets(%dma_start3A_163 : memref<128xi32, #tpu.memory_space<vmem>>) semaphore(%arg27 : memref<!tpu.dma_semaphore, #tpu.memory_space<semaphore_mem>>)
    %dma_start3A_166 = arith.constant 3 : i32
    %dma_start3A_167 = arith.constant 384 : i32
    %dma_start3A_168 = arith.constant 0 : i32
    %dma_start3A_169 = tpu.memref_slice %arg18[%dma_start3A_167, %dma_start3A_168] : memref<512x64xf32, #tpu.memory_space<vmem>> -> memref<128x64xf32, #tpu.memory_space<vmem>>
    %dma_start3A_170 = arith.constant 0 : i32
    %dma_start3A_171 = tpu.memref_slice %arg15[%dma_start3A_166, %dma_start3A_170] : memref<4x128xi32, #tpu.memory_space<vmem>> -> memref<1x128xi32, #tpu.memory_space<vmem>>
    %dma_start3A_172 = tpu.memref_squeeze %dma_start3A_171 : memref<1x128xi32, #tpu.memory_space<vmem>> -> memref<128xi32, #tpu.memory_space<vmem>>
    %dma_start3A_173 = arith.constant 0 : i32
    %dma_start3A_174 = arith.constant 0 : i32
    %dma_start3A_175 = tpu.memref_slice %arg5[%dma_start3A_173, %dma_start3A_174] : memref<1000001x64xf32, #tpu.memory_space<hbm>> -> memref<1000001x64xf32, #tpu.memory_space<hbm>>
    tpu.enqueue_indirect_dma source(%dma_start3A_175 : memref<1000001x64xf32, #tpu.memory_space<hbm>>) target(%dma_start3A_169 : memref<128x64xf32, #tpu.memory_space<vmem>>) offsets(%dma_start3A_172 : memref<128xi32, #tpu.memory_space<vmem>>) semaphore(%arg24 : memref<!tpu.dma_semaphore, #tpu.memory_space<semaphore_mem>>)
    %dma_start3A_176 = arith.constant 3 : i32
    %dma_start3A_177 = arith.constant 384 : i32
    %dma_start3A_178 = arith.constant 0 : i32
    %dma_start3A_179 = tpu.memref_slice %arg19[%dma_start3A_177, %dma_start3A_178] : memref<512x64xf32, #tpu.memory_space<vmem>> -> memref<128x64xf32, #tpu.memory_space<vmem>>
    %dma_start3A_180 = arith.constant 0 : i32
    %dma_start3A_181 = tpu.memref_slice %arg16[%dma_start3A_176, %dma_start3A_180] : memref<4x128xi32, #tpu.memory_space<vmem>> -> memref<1x128xi32, #tpu.memory_space<vmem>>
    %dma_start3A_182 = tpu.memref_squeeze %dma_start3A_181 : memref<1x128xi32, #tpu.memory_space<vmem>> -> memref<128xi32, #tpu.memory_space<vmem>>
    %dma_start3A_183 = arith.constant 0 : i32
    %dma_start3A_184 = arith.constant 0 : i32
    %dma_start3A_185 = tpu.memref_slice %arg6[%dma_start3A_183, %dma_start3A_184] : memref<1000001x64xf32, #tpu.memory_space<hbm>> -> memref<1000001x64xf32, #tpu.memory_space<hbm>>
    tpu.enqueue_indirect_dma source(%dma_start3A_185 : memref<1000001x64xf32, #tpu.memory_space<hbm>>) target(%dma_start3A_179 : memref<128x64xf32, #tpu.memory_space<vmem>>) offsets(%dma_start3A_182 : memref<128xi32, #tpu.memory_space<vmem>>) semaphore(%arg25 : memref<!tpu.dma_semaphore, #tpu.memory_space<semaphore_mem>>)
    %dma_start3A_186 = arith.constant 3 : i32
    %dma_start3A_187 = arith.constant 384 : i32
    %dma_start3A_188 = arith.constant 0 : i32
    %dma_start3A_189 = tpu.memref_slice %arg20[%dma_start3A_187, %dma_start3A_188] : memref<512x64xf32, #tpu.memory_space<vmem>> -> memref<128x64xf32, #tpu.memory_space<vmem>>
    %dma_start3A_190 = arith.constant 0 : i32
    %dma_start3A_191 = tpu.memref_slice %arg17[%dma_start3A_186, %dma_start3A_190] : memref<4x128xi32, #tpu.memory_space<vmem>> -> memref<1x128xi32, #tpu.memory_space<vmem>>
    %dma_start3A_192 = tpu.memref_squeeze %dma_start3A_191 : memref<1x128xi32, #tpu.memory_space<vmem>> -> memref<128xi32, #tpu.memory_space<vmem>>
    %dma_start3A_193 = arith.constant 0 : i32
    %dma_start3A_194 = arith.constant 0 : i32
    %dma_start3A_195 = tpu.memref_slice %arg6[%dma_start3A_193, %dma_start3A_194] : memref<1000001x64xf32, #tpu.memory_space<hbm>> -> memref<1000001x64xf32, #tpu.memory_space<hbm>>
    tpu.enqueue_indirect_dma source(%dma_start3A_195 : memref<1000001x64xf32, #tpu.memory_space<hbm>>) target(%dma_start3A_189 : memref<128x64xf32, #tpu.memory_space<vmem>>) offsets(%dma_start3A_192 : memref<128xi32, #tpu.memory_space<vmem>>) semaphore(%arg26 : memref<!tpu.dma_semaphore, #tpu.memory_space<semaphore_mem>>)
    %dma_start3A_196 = arith.constant 3 : i32
    %dma_start3A_197 = arith.constant 384 : i32
    %dma_start3A_198 = tpu.memref_slice %arg21[%dma_start3A_197] : memref<512xf32, #tpu.memory_space<vmem>> -> memref<128xf32, #tpu.memory_space<vmem>>
    %dma_start3A_199 = arith.constant 0 : i32
    %dma_start3A_200 = tpu.memref_slice %arg15[%dma_start3A_196, %dma_start3A_199] : memref<4x128xi32, #tpu.memory_space<vmem>> -> memref<1x128xi32, #tpu.memory_space<vmem>>
    %dma_start3A_201 = tpu.memref_squeeze %dma_start3A_200 : memref<1x128xi32, #tpu.memory_space<vmem>> -> memref<128xi32, #tpu.memory_space<vmem>>
    %dma_start3A_202 = arith.constant 0 : i32
    %dma_start3A_203 = tpu.memref_slice %arg7[%dma_start3A_202] : memref<1000001xf32, #tpu.memory_space<hbm>> -> memref<1000001xf32, #tpu.memory_space<hbm>>
    tpu.enqueue_indirect_dma source(%dma_start3A_203 : memref<1000001xf32, #tpu.memory_space<hbm>>) target(%dma_start3A_198 : memref<128xf32, #tpu.memory_space<vmem>>) offsets(%dma_start3A_201 : memref<128xi32, #tpu.memory_space<vmem>>) semaphore(%arg27 : memref<!tpu.dma_semaphore, #tpu.memory_space<semaphore_mem>>)
    %dma_start3A_204 = arith.constant 3 : i32
    %dma_start3A_205 = arith.constant 384 : i32
    %dma_start3A_206 = tpu.memref_slice %arg22[%dma_start3A_205] : memref<512xf32, #tpu.memory_space<vmem>> -> memref<128xf32, #tpu.memory_space<vmem>>
    %dma_start3A_207 = arith.constant 0 : i32
    %dma_start3A_208 = tpu.memref_slice %arg16[%dma_start3A_204, %dma_start3A_207] : memref<4x128xi32, #tpu.memory_space<vmem>> -> memref<1x128xi32, #tpu.memory_space<vmem>>
    %dma_start3A_209 = tpu.memref_squeeze %dma_start3A_208 : memref<1x128xi32, #tpu.memory_space<vmem>> -> memref<128xi32, #tpu.memory_space<vmem>>
    %dma_start3A_210 = arith.constant 0 : i32
    %dma_start3A_211 = tpu.memref_slice %arg8[%dma_start3A_210] : memref<1000001xf32, #tpu.memory_space<hbm>> -> memref<1000001xf32, #tpu.memory_space<hbm>>
    tpu.enqueue_indirect_dma source(%dma_start3A_211 : memref<1000001xf32, #tpu.memory_space<hbm>>) target(%dma_start3A_206 : memref<128xf32, #tpu.memory_space<vmem>>) offsets(%dma_start3A_209 : memref<128xi32, #tpu.memory_space<vmem>>) semaphore(%arg27 : memref<!tpu.dma_semaphore, #tpu.memory_space<semaphore_mem>>)
    %dma_start3A_212 = arith.constant 3 : i32
    %dma_start3A_213 = arith.constant 384 : i32
    %dma_start3A_214 = tpu.memref_slice %arg23[%dma_start3A_213] : memref<512xf32, #tpu.memory_space<vmem>> -> memref<128xf32, #tpu.memory_space<vmem>>
    %dma_start3A_215 = arith.constant 0 : i32
    %dma_start3A_216 = tpu.memref_slice %arg17[%dma_start3A_212, %dma_start3A_215] : memref<4x128xi32, #tpu.memory_space<vmem>> -> memref<1x128xi32, #tpu.memory_space<vmem>>
    %dma_start3A_217 = tpu.memref_squeeze %dma_start3A_216 : memref<1x128xi32, #tpu.memory_space<vmem>> -> memref<128xi32, #tpu.memory_space<vmem>>
    %dma_start3A_218 = arith.constant 0 : i32
    %dma_start3A_219 = tpu.memref_slice %arg8[%dma_start3A_218] : memref<1000001xf32, #tpu.memory_space<hbm>> -> memref<1000001xf32, #tpu.memory_space<hbm>>
    tpu.enqueue_indirect_dma source(%dma_start3A_219 : memref<1000001xf32, #tpu.memory_space<hbm>>) target(%dma_start3A_214 : memref<128xf32, #tpu.memory_space<vmem>>) offsets(%dma_start3A_217 : memref<128xi32, #tpu.memory_space<vmem>>) semaphore(%arg27 : memref<!tpu.dma_semaphore, #tpu.memory_space<semaphore_mem>>)
    %dma_wait3A = arith.constant 0 : i32
    %dma_wait3A_220 = arith.constant 0 : i32
    %dma_wait3A_221 = arith.constant 0 : i32
    %dma_wait3A_222 = tpu.memref_slice %arg18[%dma_wait3A_220, %dma_wait3A_221] : memref<512x64xf32, #tpu.memory_space<vmem>> -> memref<128x64xf32, #tpu.memory_space<vmem>>
    %dma_wait3A_223 = arith.constant 0 : i32
    %dma_wait3A_224 = tpu.memref_slice %arg15[%dma_wait3A, %dma_wait3A_223] : memref<4x128xi32, #tpu.memory_space<vmem>> -> memref<1x128xi32, #tpu.memory_space<vmem>>
    %dma_wait3A_225 = tpu.memref_squeeze %dma_wait3A_224 : memref<1x128xi32, #tpu.memory_space<vmem>> -> memref<128xi32, #tpu.memory_space<vmem>>
    %dma_wait3A_226 = arith.constant 0 : i32
    %dma_wait3A_227 = arith.constant 0 : i32
    %dma_wait3A_228 = tpu.memref_slice %arg5[%dma_wait3A_226, %dma_wait3A_227] : memref<1000001x64xf32, #tpu.memory_space<hbm>> -> memref<1000001x64xf32, #tpu.memory_space<hbm>>
    tpu.wait_indirect_dma semaphore(%arg24 : memref<!tpu.dma_semaphore, #tpu.memory_space<semaphore_mem>>) src(%dma_wait3A_228 : memref<1000001x64xf32, #tpu.memory_space<hbm>>) dst(%dma_wait3A_222 : memref<128x64xf32, #tpu.memory_space<vmem>>)
    %dma_wait3A_229 = arith.constant 1 : i32
    %dma_wait3A_230 = arith.constant 128 : i32
    %dma_wait3A_231 = arith.constant 0 : i32
    %dma_wait3A_232 = tpu.memref_slice %arg18[%dma_wait3A_230, %dma_wait3A_231] : memref<512x64xf32, #tpu.memory_space<vmem>> -> memref<128x64xf32, #tpu.memory_space<vmem>>
    %dma_wait3A_233 = arith.constant 0 : i32
    %dma_wait3A_234 = tpu.memref_slice %arg15[%dma_wait3A_229, %dma_wait3A_233] : memref<4x128xi32, #tpu.memory_space<vmem>> -> memref<1x128xi32, #tpu.memory_space<vmem>>
    %dma_wait3A_235 = tpu.memref_squeeze %dma_wait3A_234 : memref<1x128xi32, #tpu.memory_space<vmem>> -> memref<128xi32, #tpu.memory_space<vmem>>
    %dma_wait3A_236 = arith.constant 0 : i32
    %dma_wait3A_237 = arith.constant 0 : i32
    %dma_wait3A_238 = tpu.memref_slice %arg5[%dma_wait3A_236, %dma_wait3A_237] : memref<1000001x64xf32, #tpu.memory_space<hbm>> -> memref<1000001x64xf32, #tpu.memory_space<hbm>>
    tpu.wait_indirect_dma semaphore(%arg24 : memref<!tpu.dma_semaphore, #tpu.memory_space<semaphore_mem>>) src(%dma_wait3A_238 : memref<1000001x64xf32, #tpu.memory_space<hbm>>) dst(%dma_wait3A_232 : memref<128x64xf32, #tpu.memory_space<vmem>>)
    %dma_wait3A_239 = arith.constant 2 : i32
    %dma_wait3A_240 = arith.constant 256 : i32
    %dma_wait3A_241 = arith.constant 0 : i32
    %dma_wait3A_242 = tpu.memref_slice %arg18[%dma_wait3A_240, %dma_wait3A_241] : memref<512x64xf32, #tpu.memory_space<vmem>> -> memref<128x64xf32, #tpu.memory_space<vmem>>
    %dma_wait3A_243 = arith.constant 0 : i32
    %dma_wait3A_244 = tpu.memref_slice %arg15[%dma_wait3A_239, %dma_wait3A_243] : memref<4x128xi32, #tpu.memory_space<vmem>> -> memref<1x128xi32, #tpu.memory_space<vmem>>
    %dma_wait3A_245 = tpu.memref_squeeze %dma_wait3A_244 : memref<1x128xi32, #tpu.memory_space<vmem>> -> memref<128xi32, #tpu.memory_space<vmem>>
    %dma_wait3A_246 = arith.constant 0 : i32
    %dma_wait3A_247 = arith.constant 0 : i32
    %dma_wait3A_248 = tpu.memref_slice %arg5[%dma_wait3A_246, %dma_wait3A_247] : memref<1000001x64xf32, #tpu.memory_space<hbm>> -> memref<1000001x64xf32, #tpu.memory_space<hbm>>
    tpu.wait_indirect_dma semaphore(%arg24 : memref<!tpu.dma_semaphore, #tpu.memory_space<semaphore_mem>>) src(%dma_wait3A_248 : memref<1000001x64xf32, #tpu.memory_space<hbm>>) dst(%dma_wait3A_242 : memref<128x64xf32, #tpu.memory_space<vmem>>)
    %dma_wait3A_249 = arith.constant 3 : i32
    %dma_wait3A_250 = arith.constant 384 : i32
    %dma_wait3A_251 = arith.constant 0 : i32
    %dma_wait3A_252 = tpu.memref_slice %arg18[%dma_wait3A_250, %dma_wait3A_251] : memref<512x64xf32, #tpu.memory_space<vmem>> -> memref<128x64xf32, #tpu.memory_space<vmem>>
    %dma_wait3A_253 = arith.constant 0 : i32
    %dma_wait3A_254 = tpu.memref_slice %arg15[%dma_wait3A_249, %dma_wait3A_253] : memref<4x128xi32, #tpu.memory_space<vmem>> -> memref<1x128xi32, #tpu.memory_space<vmem>>
    %dma_wait3A_255 = tpu.memref_squeeze %dma_wait3A_254 : memref<1x128xi32, #tpu.memory_space<vmem>> -> memref<128xi32, #tpu.memory_space<vmem>>
    %dma_wait3A_256 = arith.constant 0 : i32
    %dma_wait3A_257 = arith.constant 0 : i32
    %dma_wait3A_258 = tpu.memref_slice %arg5[%dma_wait3A_256, %dma_wait3A_257] : memref<1000001x64xf32, #tpu.memory_space<hbm>> -> memref<1000001x64xf32, #tpu.memory_space<hbm>>
    tpu.wait_indirect_dma semaphore(%arg24 : memref<!tpu.dma_semaphore, #tpu.memory_space<semaphore_mem>>) src(%dma_wait3A_258 : memref<1000001x64xf32, #tpu.memory_space<hbm>>) dst(%dma_wait3A_252 : memref<128x64xf32, #tpu.memory_space<vmem>>)
    %iota3A = tpu.iota {dimensions = array<i32: 0>} : vector<16xi32>
    %xor3A = arith.constant 8 : i32
    %xor3A_259 = vector.broadcast %xor3A : i32 to vector<16xi32>
    %xor3A_260 = arith.xori %iota3A, %xor3A_259 : vector<16xi32>
    %xor3A_261 = arith.constant 4 : i32
    %xor3A_262 = vector.broadcast %xor3A_261 : i32 to vector<16xi32>
    %xor3A_263 = arith.xori %iota3A, %xor3A_262 : vector<16xi32>
    %xor3A_264 = arith.constant 2 : i32
    %xor3A_265 = vector.broadcast %xor3A_264 : i32 to vector<16xi32>
    %xor3A_266 = arith.xori %iota3A, %xor3A_265 : vector<16xi32>
    %xor3A_267 = arith.constant 1 : i32
    %xor3A_268 = vector.broadcast %xor3A_267 : i32 to vector<16xi32>
    %xor3A_269 = arith.xori %iota3A, %xor3A_268 : vector<16xi32>
    %scan3A = arith.constant 0 : i32
    %scan3A_270 = arith.constant 0 : i32
    %scan3A_271 = arith.constant 512 : i32
    %scan3A_272 = arith.addi %scan3A_270, %scan3A_271 : i32
    %scan3A_273 = arith.constant 1 : i32
    scf.for %scan3A_489 = %scan3A_270 to %scan3A_272 step %scan3A_273  : i32 {
      %get3A = arith.index_cast %scan3A_489 : i32 to index
      %get3A_490 = arith.constant 0 : index
      %get3A_491 = tpu.vector_load %arg18[%get3A, %get3A_490] {strides = array<i32>} : memref<512x64xf32, #tpu.memory_space<vmem>>, vector<1x16xf32>,
      %get3A_492 = vector.shape_cast %get3A_491 : vector<1x16xf32> to vector<16xf32>
      %get3A_493 = arith.index_cast %scan3A_489 : i32 to index
      %get3A_494 = arith.constant 16 : index
      %get3A_495 = tpu.vector_load %arg18[%get3A_493, %get3A_494] {strides = array<i32>} : memref<512x64xf32, #tpu.memory_space<vmem>>, vector<1x16xf32>,
      %get3A_496 = vector.shape_cast %get3A_495 : vector<1x16xf32> to vector<16xf32>
      %get3A_497 = arith.index_cast %scan3A_489 : i32 to index
      %get3A_498 = arith.constant 32 : index
      %get3A_499 = tpu.vector_load %arg18[%get3A_497, %get3A_498] {strides = array<i32>} : memref<512x64xf32, #tpu.memory_space<vmem>>, vector<1x16xf32>,
      %get3A_500 = vector.shape_cast %get3A_499 : vector<1x16xf32> to vector<16xf32>
      %get3A_501 = arith.index_cast %scan3A_489 : i32 to index
      %get3A_502 = arith.constant 48 : index
      %get3A_503 = tpu.vector_load %arg18[%get3A_501, %get3A_502] {strides = array<i32>} : memref<512x64xf32, #tpu.memory_space<vmem>>, vector<1x16xf32>,
      %get3A_504 = vector.shape_cast %get3A_503 : vector<1x16xf32> to vector<16xf32>
      %mul3A_505 = arith.mulf %get3A_492, %get3A_492 : vector<16xf32>
      %mul3A_506 = arith.mulf %get3A_496, %get3A_496 : vector<16xf32>
      %add3A_507 = arith.addf %mul3A_505, %mul3A_506 : vector<16xf32>
      %mul3A_508 = arith.mulf %get3A_500, %get3A_500 : vector<16xf32>
      %add3A_509 = arith.addf %add3A_507, %mul3A_508 : vector<16xf32>
      %mul3A_510 = arith.mulf %get3A_504, %get3A_504 : vector<16xf32>
      %add3A_511 = arith.addf %add3A_509, %mul3A_510 : vector<16xf32>
      %broadcast_in_dim3A = vector.shape_cast %xor3A_260 : vector<16xi32> to vector<16x1xi32>
      %gather3A = vector.shape_cast %broadcast_in_dim3A : vector<16x1xi32> to vector<16xi32>
      %gather3A_512 = tpu.dynamic_gather %add3A_511[%gather3A] in [0] : vector<16xf32>, vector<16xi32> -> vector<16xf32>
      %add3A_513 = arith.addf %add3A_511, %gather3A_512 : vector<16xf32>
      %broadcast_in_dim3A_514 = vector.shape_cast %xor3A_263 : vector<16xi32> to vector<16x1xi32>
      %gather3A_515 = vector.shape_cast %broadcast_in_dim3A_514 : vector<16x1xi32> to vector<16xi32>
      %gather3A_516 = tpu.dynamic_gather %add3A_513[%gather3A_515] in [0] : vector<16xf32>, vector<16xi32> -> vector<16xf32>
      %add3A_517 = arith.addf %add3A_513, %gather3A_516 : vector<16xf32>
      %broadcast_in_dim3A_518 = vector.shape_cast %xor3A_266 : vector<16xi32> to vector<16x1xi32>
      %gather3A_519 = vector.shape_cast %broadcast_in_dim3A_518 : vector<16x1xi32> to vector<16xi32>
      %gather3A_520 = tpu.dynamic_gather %add3A_517[%gather3A_519] in [0] : vector<16xf32>, vector<16xi32> -> vector<16xf32>
      %add3A_521 = arith.addf %add3A_517, %gather3A_520 : vector<16xf32>
      %broadcast_in_dim3A_522 = vector.shape_cast %xor3A_269 : vector<16xi32> to vector<16x1xi32>
      %gather3A_523 = vector.shape_cast %broadcast_in_dim3A_522 : vector<16x1xi32> to vector<16xi32>
      %gather3A_524 = tpu.dynamic_gather %add3A_521[%gather3A_523] in [0] : vector<16xf32>, vector<16xi32> -> vector<16xf32>
      %add3A_525 = arith.addf %add3A_521, %gather3A_524 : vector<16xf32>
      %bitcast_convert_type3A = tpu.bitcast %add3A_525 : vector<16xf32> -> vector<16xi32>
      %shift_right_arithmetic3A = arith.constant 1 : i32
      %shift_right_arithmetic3A_526 = vector.broadcast %shift_right_arithmetic3A : i32 to vector<16xi32>
      %shift_right_arithmetic3A_527 = arith.shrsi %bitcast_convert_type3A, %shift_right_arithmetic3A_526 : vector<16xi32>
      %sub3A = arith.constant 1597463007 : i32
      %sub3A_528 = vector.broadcast %sub3A : i32 to vector<16xi32>
      %sub3A_529 = arith.subi %sub3A_528, %shift_right_arithmetic3A_527 : vector<16xi32>
      %bitcast_convert_type3A_530 = tpu.bitcast %sub3A_529 : vector<16xi32> -> vector<16xf32>
      %mul3A_531 = arith.constant -5.000000e-01 : f32
      %mul3A_532 = vector.broadcast %mul3A_531 : f32 to vector<16xf32>
      %mul3A_533 = arith.mulf %add3A_525, %mul3A_532 : vector<16xf32>
      %mul3A_534 = arith.mulf %mul3A_533, %bitcast_convert_type3A_530 : vector<16xf32>
      %mul3A_535 = arith.mulf %mul3A_534, %bitcast_convert_type3A_530 : vector<16xf32>
      %add3A_536 = arith.constant 1.500000e+00 : f32
      %add3A_537 = vector.broadcast %add3A_536 : f32 to vector<16xf32>
      %add3A_538 = arith.addf %add3A_537, %mul3A_535 : vector<16xf32>
      %mul3A_539 = arith.mulf %bitcast_convert_type3A_530, %add3A_538 : vector<16xf32>
      %mul3A_540 = arith.mulf %mul3A_533, %mul3A_539 : vector<16xf32>
      %mul3A_541 = arith.mulf %mul3A_540, %mul3A_539 : vector<16xf32>
      %add3A_542 = arith.constant 1.500000e+00 : f32
      %add3A_543 = vector.broadcast %add3A_542 : f32 to vector<16xf32>
      %add3A_544 = arith.addf %add3A_543, %mul3A_541 : vector<16xf32>
      %mul3A_545 = arith.mulf %mul3A_539, %add3A_544 : vector<16xf32>
      %mul3A_546 = arith.mulf %mul3A_533, %mul3A_545 : vector<16xf32>
      %mul3A_547 = arith.mulf %mul3A_546, %mul3A_545 : vector<16xf32>
      %add3A_548 = arith.constant 1.500000e+00 : f32
      %add3A_549 = vector.broadcast %add3A_548 : f32 to vector<16xf32>
      %add3A_550 = arith.addf %add3A_549, %mul3A_547 : vector<16xf32>
      %mul3A_551 = arith.mulf %mul3A_545, %add3A_550 : vector<16xf32>
      %mul3A_552 = arith.mulf %get3A_492, %mul3A_551 : vector<16xf32>
      %swap3A = arith.index_cast %scan3A_489 : i32 to index
      %swap3A_553 = arith.constant 0 : index
      %swap3A_554 = tpu.vector_load %arg18[%swap3A, %swap3A_553] {strides = array<i32>} : memref<512x64xf32, #tpu.memory_space<vmem>>, vector<1x16xf32>,
      %swap3A_555 = vector.shape_cast %swap3A_554 : vector<1x16xf32> to vector<16xf32>
      %swap3A_556 = vector.shape_cast %mul3A_552 : vector<16xf32> to vector<1x16xf32>
      tpu.vector_store %arg18[%swap3A, %swap3A_553], %swap3A_556 {strides = array<i32>} : memref<512x64xf32, #tpu.memory_space<vmem>>, vector<1x16xf32>,
      %mul3A_557 = arith.mulf %get3A_496, %mul3A_551 : vector<16xf32>
      %swap3A_558 = arith.index_cast %scan3A_489 : i32 to index
      %swap3A_559 = arith.constant 16 : index
      %swap3A_560 = tpu.vector_load %arg18[%swap3A_558, %swap3A_559] {strides = array<i32>} : memref<512x64xf32, #tpu.memory_space<vmem>>, vector<1x16xf32>,
      %swap3A_561 = vector.shape_cast %swap3A_560 : vector<1x16xf32> to vector<16xf32>
      %swap3A_562 = vector.shape_cast %mul3A_557 : vector<16xf32> to vector<1x16xf32>
      tpu.vector_store %arg18[%swap3A_558, %swap3A_559], %swap3A_562 {strides = array<i32>} : memref<512x64xf32, #tpu.memory_space<vmem>>, vector<1x16xf32>,
      %mul3A_563 = arith.mulf %get3A_500, %mul3A_551 : vector<16xf32>
      %swap3A_564 = arith.index_cast %scan3A_489 : i32 to index
      %swap3A_565 = arith.constant 32 : index
      %swap3A_566 = tpu.vector_load %arg18[%swap3A_564, %swap3A_565] {strides = array<i32>} : memref<512x64xf32, #tpu.memory_space<vmem>>, vector<1x16xf32>,
      %swap3A_567 = vector.shape_cast %swap3A_566 : vector<1x16xf32> to vector<16xf32>
      %swap3A_568 = vector.shape_cast %mul3A_563 : vector<16xf32> to vector<1x16xf32>
      tpu.vector_store %arg18[%swap3A_564, %swap3A_565], %swap3A_568 {strides = array<i32>} : memref<512x64xf32, #tpu.memory_space<vmem>>, vector<1x16xf32>,
      %mul3A_569 = arith.mulf %get3A_504, %mul3A_551 : vector<16xf32>
      %swap3A_570 = arith.index_cast %scan3A_489 : i32 to index
      %swap3A_571 = arith.constant 48 : index
      %swap3A_572 = tpu.vector_load %arg18[%swap3A_570, %swap3A_571] {strides = array<i32>} : memref<512x64xf32, #tpu.memory_space<vmem>>, vector<1x16xf32>,
      %swap3A_573 = vector.shape_cast %swap3A_572 : vector<1x16xf32> to vector<16xf32>
      %swap3A_574 = vector.shape_cast %mul3A_569 : vector<16xf32> to vector<1x16xf32>
      tpu.vector_store %arg18[%swap3A_570, %swap3A_571], %swap3A_574 {strides = array<i32>} : memref<512x64xf32, #tpu.memory_space<vmem>>, vector<1x16xf32>,
    }
    %scan3A_274 = arith.constant 512 : i32
    %dma_wait3A_275 = arith.constant 0 : i32
    %dma_wait3A_276 = arith.constant 0 : i32
    %dma_wait3A_277 = arith.constant 0 : i32
    %dma_wait3A_278 = tpu.memref_slice %arg19[%dma_wait3A_276, %dma_wait3A_277] : memref<512x64xf32, #tpu.memory_space<vmem>> -> memref<128x64xf32, #tpu.memory_space<vmem>>
    %dma_wait3A_279 = arith.constant 0 : i32
    %dma_wait3A_280 = tpu.memref_slice %arg16[%dma_wait3A_275, %dma_wait3A_279] : memref<4x128xi32, #tpu.memory_space<vmem>> -> memref<1x128xi32, #tpu.memory_space<vmem>>
    %dma_wait3A_281 = tpu.memref_squeeze %dma_wait3A_280 : memref<1x128xi32, #tpu.memory_space<vmem>> -> memref<128xi32, #tpu.memory_space<vmem>>
    %dma_wait3A_282 = arith.constant 0 : i32
    %dma_wait3A_283 = arith.constant 0 : i32
    %dma_wait3A_284 = tpu.memref_slice %arg6[%dma_wait3A_282, %dma_wait3A_283] : memref<1000001x64xf32, #tpu.memory_space<hbm>> -> memref<1000001x64xf32, #tpu.memory_space<hbm>>
    tpu.wait_indirect_dma semaphore(%arg25 : memref<!tpu.dma_semaphore, #tpu.memory_space<semaphore_mem>>) src(%dma_wait3A_284 : memref<1000001x64xf32, #tpu.memory_space<hbm>>) dst(%dma_wait3A_278 : memref<128x64xf32, #tpu.memory_space<vmem>>)
    %dma_wait3A_285 = arith.constant 1 : i32
    %dma_wait3A_286 = arith.constant 128 : i32
    %dma_wait3A_287 = arith.constant 0 : i32
    %dma_wait3A_288 = tpu.memref_slice %arg19[%dma_wait3A_286, %dma_wait3A_287] : memref<512x64xf32, #tpu.memory_space<vmem>> -> memref<128x64xf32, #tpu.memory_space<vmem>>
    %dma_wait3A_289 = arith.constant 0 : i32
    %dma_wait3A_290 = tpu.memref_slice %arg16[%dma_wait3A_285, %dma_wait3A_289] : memref<4x128xi32, #tpu.memory_space<vmem>> -> memref<1x128xi32, #tpu.memory_space<vmem>>
    %dma_wait3A_291 = tpu.memref_squeeze %dma_wait3A_290 : memref<1x128xi32, #tpu.memory_space<vmem>> -> memref<128xi32, #tpu.memory_space<vmem>>
    %dma_wait3A_292 = arith.constant 0 : i32
    %dma_wait3A_293 = arith.constant 0 : i32
    %dma_wait3A_294 = tpu.memref_slice %arg6[%dma_wait3A_292, %dma_wait3A_293] : memref<1000001x64xf32, #tpu.memory_space<hbm>> -> memref<1000001x64xf32, #tpu.memory_space<hbm>>
    tpu.wait_indirect_dma semaphore(%arg25 : memref<!tpu.dma_semaphore, #tpu.memory_space<semaphore_mem>>) src(%dma_wait3A_294 : memref<1000001x64xf32, #tpu.memory_space<hbm>>) dst(%dma_wait3A_288 : memref<128x64xf32, #tpu.memory_space<vmem>>)
    %dma_wait3A_295 = arith.constant 2 : i32
    %dma_wait3A_296 = arith.constant 256 : i32
    %dma_wait3A_297 = arith.constant 0 : i32
    %dma_wait3A_298 = tpu.memref_slice %arg19[%dma_wait3A_296, %dma_wait3A_297] : memref<512x64xf32, #tpu.memory_space<vmem>> -> memref<128x64xf32, #tpu.memory_space<vmem>>
    %dma_wait3A_299 = arith.constant 0 : i32
    %dma_wait3A_300 = tpu.memref_slice %arg16[%dma_wait3A_295, %dma_wait3A_299] : memref<4x128xi32, #tpu.memory_space<vmem>> -> memref<1x128xi32, #tpu.memory_space<vmem>>
    %dma_wait3A_301 = tpu.memref_squeeze %dma_wait3A_300 : memref<1x128xi32, #tpu.memory_space<vmem>> -> memref<128xi32, #tpu.memory_space<vmem>>
    %dma_wait3A_302 = arith.constant 0 : i32
    %dma_wait3A_303 = arith.constant 0 : i32
    %dma_wait3A_304 = tpu.memref_slice %arg6[%dma_wait3A_302, %dma_wait3A_303] : memref<1000001x64xf32, #tpu.memory_space<hbm>> -> memref<1000001x64xf32, #tpu.memory_space<hbm>>
    tpu.wait_indirect_dma semaphore(%arg25 : memref<!tpu.dma_semaphore, #tpu.memory_space<semaphore_mem>>) src(%dma_wait3A_304 : memref<1000001x64xf32, #tpu.memory_space<hbm>>) dst(%dma_wait3A_298 : memref<128x64xf32, #tpu.memory_space<vmem>>)
    %dma_wait3A_305 = arith.constant 3 : i32
    %dma_wait3A_306 = arith.constant 384 : i32
    %dma_wait3A_307 = arith.constant 0 : i32
    %dma_wait3A_308 = tpu.memref_slice %arg19[%dma_wait3A_306, %dma_wait3A_307] : memref<512x64xf32, #tpu.memory_space<vmem>> -> memref<128x64xf32, #tpu.memory_space<vmem>>
    %dma_wait3A_309 = arith.constant 0 : i32
    %dma_wait3A_310 = tpu.memref_slice %arg16[%dma_wait3A_305, %dma_wait3A_309] : memref<4x128xi32, #tpu.memory_space<vmem>> -> memref<1x128xi32, #tpu.memory_space<vmem>>
    %dma_wait3A_311 = tpu.memref_squeeze %dma_wait3A_310 : memref<1x128xi32, #tpu.memory_space<vmem>> -> memref<128xi32, #tpu.memory_space<vmem>>
    %dma_wait3A_312 = arith.constant 0 : i32
    %dma_wait3A_313 = arith.constant 0 : i32
    %dma_wait3A_314 = tpu.memref_slice %arg6[%dma_wait3A_312, %dma_wait3A_313] : memref<1000001x64xf32, #tpu.memory_space<hbm>> -> memref<1000001x64xf32, #tpu.memory_space<hbm>>
    tpu.wait_indirect_dma semaphore(%arg25 : memref<!tpu.dma_semaphore, #tpu.memory_space<semaphore_mem>>) src(%dma_wait3A_314 : memref<1000001x64xf32, #tpu.memory_space<hbm>>) dst(%dma_wait3A_308 : memref<128x64xf32, #tpu.memory_space<vmem>>)
    %iota3A_315 = tpu.iota {dimensions = array<i32: 0>} : vector<16xi32>
    %xor3A_316 = arith.constant 8 : i32
    %xor3A_317 = vector.broadcast %xor3A_316 : i32 to vector<16xi32>
    %xor3A_318 = arith.xori %iota3A_315, %xor3A_317 : vector<16xi32>
    %xor3A_319 = arith.constant 4 : i32
    %xor3A_320 = vector.broadcast %xor3A_319 : i32 to vector<16xi32>
    %xor3A_321 = arith.xori %iota3A_315, %xor3A_320 : vector<16xi32>
    %xor3A_322 = arith.constant 2 : i32
    %xor3A_323 = vector.broadcast %xor3A_322 : i32 to vector<16xi32>
    %xor3A_324 = arith.xori %iota3A_315, %xor3A_323 : vector<16xi32>
    %xor3A_325 = arith.constant 1 : i32
    %xor3A_326 = vector.broadcast %xor3A_325 : i32 to vector<16xi32>
    %xor3A_327 = arith.xori %iota3A_315, %xor3A_326 : vector<16xi32>
    %scan3A_328 = arith.constant 0 : i32
    %scan3A_329 = arith.constant 0 : i32
    %scan3A_330 = arith.constant 512 : i32
    %scan3A_331 = arith.addi %scan3A_329, %scan3A_330 : i32
    %scan3A_332 = arith.constant 1 : i32
    scf.for %scan3A_489 = %scan3A_329 to %scan3A_331 step %scan3A_332  : i32 {
      %get3A = arith.index_cast %scan3A_489 : i32 to index
      %get3A_490 = arith.constant 0 : index
      %get3A_491 = tpu.vector_load %arg19[%get3A, %get3A_490] {strides = array<i32>} : memref<512x64xf32, #tpu.memory_space<vmem>>, vector<1x16xf32>,
      %get3A_492 = vector.shape_cast %get3A_491 : vector<1x16xf32> to vector<16xf32>
      %get3A_493 = arith.index_cast %scan3A_489 : i32 to index
      %get3A_494 = arith.constant 16 : index
      %get3A_495 = tpu.vector_load %arg19[%get3A_493, %get3A_494] {strides = array<i32>} : memref<512x64xf32, #tpu.memory_space<vmem>>, vector<1x16xf32>,
      %get3A_496 = vector.shape_cast %get3A_495 : vector<1x16xf32> to vector<16xf32>
      %get3A_497 = arith.index_cast %scan3A_489 : i32 to index
      %get3A_498 = arith.constant 32 : index
      %get3A_499 = tpu.vector_load %arg19[%get3A_497, %get3A_498] {strides = array<i32>} : memref<512x64xf32, #tpu.memory_space<vmem>>, vector<1x16xf32>,
      %get3A_500 = vector.shape_cast %get3A_499 : vector<1x16xf32> to vector<16xf32>
      %get3A_501 = arith.index_cast %scan3A_489 : i32 to index
      %get3A_502 = arith.constant 48 : index
      %get3A_503 = tpu.vector_load %arg19[%get3A_501, %get3A_502] {strides = array<i32>} : memref<512x64xf32, #tpu.memory_space<vmem>>, vector<1x16xf32>,
      %get3A_504 = vector.shape_cast %get3A_503 : vector<1x16xf32> to vector<16xf32>
      %mul3A_505 = arith.mulf %get3A_492, %get3A_492 : vector<16xf32>
      %mul3A_506 = arith.mulf %get3A_496, %get3A_496 : vector<16xf32>
      %add3A_507 = arith.addf %mul3A_505, %mul3A_506 : vector<16xf32>
      %mul3A_508 = arith.mulf %get3A_500, %get3A_500 : vector<16xf32>
      %add3A_509 = arith.addf %add3A_507, %mul3A_508 : vector<16xf32>
      %mul3A_510 = arith.mulf %get3A_504, %get3A_504 : vector<16xf32>
      %add3A_511 = arith.addf %add3A_509, %mul3A_510 : vector<16xf32>
      %broadcast_in_dim3A = vector.shape_cast %xor3A_318 : vector<16xi32> to vector<16x1xi32>
      %gather3A = vector.shape_cast %broadcast_in_dim3A : vector<16x1xi32> to vector<16xi32>
      %gather3A_512 = tpu.dynamic_gather %add3A_511[%gather3A] in [0] : vector<16xf32>, vector<16xi32> -> vector<16xf32>
      %add3A_513 = arith.addf %add3A_511, %gather3A_512 : vector<16xf32>
      %broadcast_in_dim3A_514 = vector.shape_cast %xor3A_321 : vector<16xi32> to vector<16x1xi32>
      %gather3A_515 = vector.shape_cast %broadcast_in_dim3A_514 : vector<16x1xi32> to vector<16xi32>
      %gather3A_516 = tpu.dynamic_gather %add3A_513[%gather3A_515] in [0] : vector<16xf32>, vector<16xi32> -> vector<16xf32>
      %add3A_517 = arith.addf %add3A_513, %gather3A_516 : vector<16xf32>
      %broadcast_in_dim3A_518 = vector.shape_cast %xor3A_324 : vector<16xi32> to vector<16x1xi32>
      %gather3A_519 = vector.shape_cast %broadcast_in_dim3A_518 : vector<16x1xi32> to vector<16xi32>
      %gather3A_520 = tpu.dynamic_gather %add3A_517[%gather3A_519] in [0] : vector<16xf32>, vector<16xi32> -> vector<16xf32>
      %add3A_521 = arith.addf %add3A_517, %gather3A_520 : vector<16xf32>
      %broadcast_in_dim3A_522 = vector.shape_cast %xor3A_327 : vector<16xi32> to vector<16x1xi32>
      %gather3A_523 = vector.shape_cast %broadcast_in_dim3A_522 : vector<16x1xi32> to vector<16xi32>
      %gather3A_524 = tpu.dynamic_gather %add3A_521[%gather3A_523] in [0] : vector<16xf32>, vector<16xi32> -> vector<16xf32>
      %add3A_525 = arith.addf %add3A_521, %gather3A_524 : vector<16xf32>
      %bitcast_convert_type3A = tpu.bitcast %add3A_525 : vector<16xf32> -> vector<16xi32>
      %shift_right_arithmetic3A = arith.constant 1 : i32
      %shift_right_arithmetic3A_526 = vector.broadcast %shift_right_arithmetic3A : i32 to vector<16xi32>
      %shift_right_arithmetic3A_527 = arith.shrsi %bitcast_convert_type3A, %shift_right_arithmetic3A_526 : vector<16xi32>
      %sub3A = arith.constant 1597463007 : i32
      %sub3A_528 = vector.broadcast %sub3A : i32 to vector<16xi32>
      %sub3A_529 = arith.subi %sub3A_528, %shift_right_arithmetic3A_527 : vector<16xi32>
      %bitcast_convert_type3A_530 = tpu.bitcast %sub3A_529 : vector<16xi32> -> vector<16xf32>
      %mul3A_531 = arith.constant -5.000000e-01 : f32
      %mul3A_532 = vector.broadcast %mul3A_531 : f32 to vector<16xf32>
      %mul3A_533 = arith.mulf %add3A_525, %mul3A_532 : vector<16xf32>
      %mul3A_534 = arith.mulf %mul3A_533, %bitcast_convert_type3A_530 : vector<16xf32>
      %mul3A_535 = arith.mulf %mul3A_534, %bitcast_convert_type3A_530 : vector<16xf32>
      %add3A_536 = arith.constant 1.500000e+00 : f32
      %add3A_537 = vector.broadcast %add3A_536 : f32 to vector<16xf32>
      %add3A_538 = arith.addf %add3A_537, %mul3A_535 : vector<16xf32>
      %mul3A_539 = arith.mulf %bitcast_convert_type3A_530, %add3A_538 : vector<16xf32>
      %mul3A_540 = arith.mulf %mul3A_533, %mul3A_539 : vector<16xf32>
      %mul3A_541 = arith.mulf %mul3A_540, %mul3A_539 : vector<16xf32>
      %add3A_542 = arith.constant 1.500000e+00 : f32
      %add3A_543 = vector.broadcast %add3A_542 : f32 to vector<16xf32>
      %add3A_544 = arith.addf %add3A_543, %mul3A_541 : vector<16xf32>
      %mul3A_545 = arith.mulf %mul3A_539, %add3A_544 : vector<16xf32>
      %mul3A_546 = arith.mulf %mul3A_533, %mul3A_545 : vector<16xf32>
      %mul3A_547 = arith.mulf %mul3A_546, %mul3A_545 : vector<16xf32>
      %add3A_548 = arith.constant 1.500000e+00 : f32
      %add3A_549 = vector.broadcast %add3A_548 : f32 to vector<16xf32>
      %add3A_550 = arith.addf %add3A_549, %mul3A_547 : vector<16xf32>
      %mul3A_551 = arith.mulf %mul3A_545, %add3A_550 : vector<16xf32>
      %mul3A_552 = arith.mulf %get3A_492, %mul3A_551 : vector<16xf32>
      %swap3A = arith.index_cast %scan3A_489 : i32 to index
      %swap3A_553 = arith.constant 0 : index
      %swap3A_554 = tpu.vector_load %arg19[%swap3A, %swap3A_553] {strides = array<i32>} : memref<512x64xf32, #tpu.memory_space<vmem>>, vector<1x16xf32>,
      %swap3A_555 = vector.shape_cast %swap3A_554 : vector<1x16xf32> to vector<16xf32>
      %swap3A_556 = vector.shape_cast %mul3A_552 : vector<16xf32> to vector<1x16xf32>
      tpu.vector_store %arg19[%swap3A, %swap3A_553], %swap3A_556 {strides = array<i32>} : memref<512x64xf32, #tpu.memory_space<vmem>>, vector<1x16xf32>,
      %mul3A_557 = arith.mulf %get3A_496, %mul3A_551 : vector<16xf32>
      %swap3A_558 = arith.index_cast %scan3A_489 : i32 to index
      %swap3A_559 = arith.constant 16 : index
      %swap3A_560 = tpu.vector_load %arg19[%swap3A_558, %swap3A_559] {strides = array<i32>} : memref<512x64xf32, #tpu.memory_space<vmem>>, vector<1x16xf32>,
      %swap3A_561 = vector.shape_cast %swap3A_560 : vector<1x16xf32> to vector<16xf32>
      %swap3A_562 = vector.shape_cast %mul3A_557 : vector<16xf32> to vector<1x16xf32>
      tpu.vector_store %arg19[%swap3A_558, %swap3A_559], %swap3A_562 {strides = array<i32>} : memref<512x64xf32, #tpu.memory_space<vmem>>, vector<1x16xf32>,
      %mul3A_563 = arith.mulf %get3A_500, %mul3A_551 : vector<16xf32>
      %swap3A_564 = arith.index_cast %scan3A_489 : i32 to index
      %swap3A_565 = arith.constant 32 : index
      %swap3A_566 = tpu.vector_load %arg19[%swap3A_564, %swap3A_565] {strides = array<i32>} : memref<512x64xf32, #tpu.memory_space<vmem>>, vector<1x16xf32>,
      %swap3A_567 = vector.shape_cast %swap3A_566 : vector<1x16xf32> to vector<16xf32>
      %swap3A_568 = vector.shape_cast %mul3A_563 : vector<16xf32> to vector<1x16xf32>
      tpu.vector_store %arg19[%swap3A_564, %swap3A_565], %swap3A_568 {strides = array<i32>} : memref<512x64xf32, #tpu.memory_space<vmem>>, vector<1x16xf32>,
      %mul3A_569 = arith.mulf %get3A_504, %mul3A_551 : vector<16xf32>
      %swap3A_570 = arith.index_cast %scan3A_489 : i32 to index
      %swap3A_571 = arith.constant 48 : index
      %swap3A_572 = tpu.vector_load %arg19[%swap3A_570, %swap3A_571] {strides = array<i32>} : memref<512x64xf32, #tpu.memory_space<vmem>>, vector<1x16xf32>,
      %swap3A_573 = vector.shape_cast %swap3A_572 : vector<1x16xf32> to vector<16xf32>
      %swap3A_574 = vector.shape_cast %mul3A_569 : vector<16xf32> to vector<1x16xf32>
      tpu.vector_store %arg19[%swap3A_570, %swap3A_571], %swap3A_574 {strides = array<i32>} : memref<512x64xf32, #tpu.memory_space<vmem>>, vector<1x16xf32>,
    }
    %scan3A_333 = arith.constant 512 : i32
    %dma_wait3A_334 = arith.constant 0 : i32
    %dma_wait3A_335 = arith.constant 0 : i32
    %dma_wait3A_336 = arith.constant 0 : i32
    %dma_wait3A_337 = tpu.memref_slice %arg20[%dma_wait3A_335, %dma_wait3A_336] : memref<512x64xf32, #tpu.memory_space<vmem>> -> memref<128x64xf32, #tpu.memory_space<vmem>>
    %dma_wait3A_338 = arith.constant 0 : i32
    %dma_wait3A_339 = tpu.memref_slice %arg17[%dma_wait3A_334, %dma_wait3A_338] : memref<4x128xi32, #tpu.memory_space<vmem>> -> memref<1x128xi32, #tpu.memory_space<vmem>>
    %dma_wait3A_340 = tpu.memref_squeeze %dma_wait3A_339 : memref<1x128xi32, #tpu.memory_space<vmem>> -> memref<128xi32, #tpu.memory_space<vmem>>
    %dma_wait3A_341 = arith.constant 0 : i32
    %dma_wait3A_342 = arith.constant 0 : i32
    %dma_wait3A_343 = tpu.memref_slice %arg6[%dma_wait3A_341, %dma_wait3A_342] : memref<1000001x64xf32, #tpu.memory_space<hbm>> -> memref<1000001x64xf32, #tpu.memory_space<hbm>>
    tpu.wait_indirect_dma semaphore(%arg26 : memref<!tpu.dma_semaphore, #tpu.memory_space<semaphore_mem>>) src(%dma_wait3A_343 : memref<1000001x64xf32, #tpu.memory_space<hbm>>) dst(%dma_wait3A_337 : memref<128x64xf32, #tpu.memory_space<vmem>>)
    %dma_wait3A_344 = arith.constant 1 : i32
    %dma_wait3A_345 = arith.constant 128 : i32
    %dma_wait3A_346 = arith.constant 0 : i32
    %dma_wait3A_347 = tpu.memref_slice %arg20[%dma_wait3A_345, %dma_wait3A_346] : memref<512x64xf32, #tpu.memory_space<vmem>> -> memref<128x64xf32, #tpu.memory_space<vmem>>
    %dma_wait3A_348 = arith.constant 0 : i32
    %dma_wait3A_349 = tpu.memref_slice %arg17[%dma_wait3A_344, %dma_wait3A_348] : memref<4x128xi32, #tpu.memory_space<vmem>> -> memref<1x128xi32, #tpu.memory_space<vmem>>
    %dma_wait3A_350 = tpu.memref_squeeze %dma_wait3A_349 : memref<1x128xi32, #tpu.memory_space<vmem>> -> memref<128xi32, #tpu.memory_space<vmem>>
    %dma_wait3A_351 = arith.constant 0 : i32
    %dma_wait3A_352 = arith.constant 0 : i32
    %dma_wait3A_353 = tpu.memref_slice %arg6[%dma_wait3A_351, %dma_wait3A_352] : memref<1000001x64xf32, #tpu.memory_space<hbm>> -> memref<1000001x64xf32, #tpu.memory_space<hbm>>
    tpu.wait_indirect_dma semaphore(%arg26 : memref<!tpu.dma_semaphore, #tpu.memory_space<semaphore_mem>>) src(%dma_wait3A_353 : memref<1000001x64xf32, #tpu.memory_space<hbm>>) dst(%dma_wait3A_347 : memref<128x64xf32, #tpu.memory_space<vmem>>)
    %dma_wait3A_354 = arith.constant 2 : i32
    %dma_wait3A_355 = arith.constant 256 : i32
    %dma_wait3A_356 = arith.constant 0 : i32
    %dma_wait3A_357 = tpu.memref_slice %arg20[%dma_wait3A_355, %dma_wait3A_356] : memref<512x64xf32, #tpu.memory_space<vmem>> -> memref<128x64xf32, #tpu.memory_space<vmem>>
    %dma_wait3A_358 = arith.constant 0 : i32
    %dma_wait3A_359 = tpu.memref_slice %arg17[%dma_wait3A_354, %dma_wait3A_358] : memref<4x128xi32, #tpu.memory_space<vmem>> -> memref<1x128xi32, #tpu.memory_space<vmem>>
    %dma_wait3A_360 = tpu.memref_squeeze %dma_wait3A_359 : memref<1x128xi32, #tpu.memory_space<vmem>> -> memref<128xi32, #tpu.memory_space<vmem>>
    %dma_wait3A_361 = arith.constant 0 : i32
    %dma_wait3A_362 = arith.constant 0 : i32
    %dma_wait3A_363 = tpu.memref_slice %arg6[%dma_wait3A_361, %dma_wait3A_362] : memref<1000001x64xf32, #tpu.memory_space<hbm>> -> memref<1000001x64xf32, #tpu.memory_space<hbm>>
    tpu.wait_indirect_dma semaphore(%arg26 : memref<!tpu.dma_semaphore, #tpu.memory_space<semaphore_mem>>) src(%dma_wait3A_363 : memref<1000001x64xf32, #tpu.memory_space<hbm>>) dst(%dma_wait3A_357 : memref<128x64xf32, #tpu.memory_space<vmem>>)
    %dma_wait3A_364 = arith.constant 3 : i32
    %dma_wait3A_365 = arith.constant 384 : i32
    %dma_wait3A_366 = arith.constant 0 : i32
    %dma_wait3A_367 = tpu.memref_slice %arg20[%dma_wait3A_365, %dma_wait3A_366] : memref<512x64xf32, #tpu.memory_space<vmem>> -> memref<128x64xf32, #tpu.memory_space<vmem>>
    %dma_wait3A_368 = arith.constant 0 : i32
    %dma_wait3A_369 = tpu.memref_slice %arg17[%dma_wait3A_364, %dma_wait3A_368] : memref<4x128xi32, #tpu.memory_space<vmem>> -> memref<1x128xi32, #tpu.memory_space<vmem>>
    %dma_wait3A_370 = tpu.memref_squeeze %dma_wait3A_369 : memref<1x128xi32, #tpu.memory_space<vmem>> -> memref<128xi32, #tpu.memory_space<vmem>>
    %dma_wait3A_371 = arith.constant 0 : i32
    %dma_wait3A_372 = arith.constant 0 : i32
    %dma_wait3A_373 = tpu.memref_slice %arg6[%dma_wait3A_371, %dma_wait3A_372] : memref<1000001x64xf32, #tpu.memory_space<hbm>> -> memref<1000001x64xf32, #tpu.memory_space<hbm>>
    tpu.wait_indirect_dma semaphore(%arg26 : memref<!tpu.dma_semaphore, #tpu.memory_space<semaphore_mem>>) src(%dma_wait3A_373 : memref<1000001x64xf32, #tpu.memory_space<hbm>>) dst(%dma_wait3A_367 : memref<128x64xf32, #tpu.memory_space<vmem>>)
    %iota3A_374 = tpu.iota {dimensions = array<i32: 0>} : vector<16xi32>
    %xor3A_375 = arith.constant 8 : i32
    %xor3A_376 = vector.broadcast %xor3A_375 : i32 to vector<16xi32>
    %xor3A_377 = arith.xori %iota3A_374, %xor3A_376 : vector<16xi32>
    %xor3A_378 = arith.constant 4 : i32
    %xor3A_379 = vector.broadcast %xor3A_378 : i32 to vector<16xi32>
    %xor3A_380 = arith.xori %iota3A_374, %xor3A_379 : vector<16xi32>
    %xor3A_381 = arith.constant 2 : i32
    %xor3A_382 = vector.broadcast %xor3A_381 : i32 to vector<16xi32>
    %xor3A_383 = arith.xori %iota3A_374, %xor3A_382 : vector<16xi32>
    %xor3A_384 = arith.constant 1 : i32
    %xor3A_385 = vector.broadcast %xor3A_384 : i32 to vector<16xi32>
    %xor3A_386 = arith.xori %iota3A_374, %xor3A_385 : vector<16xi32>
    %scan3A_387 = arith.constant 0 : i32
    %scan3A_388 = arith.constant 0 : i32
    %scan3A_389 = arith.constant 512 : i32
    %scan3A_390 = arith.addi %scan3A_388, %scan3A_389 : i32
    %scan3A_391 = arith.constant 1 : i32
    scf.for %scan3A_489 = %scan3A_388 to %scan3A_390 step %scan3A_391  : i32 {
      %get3A = arith.index_cast %scan3A_489 : i32 to index
      %get3A_490 = arith.constant 0 : index
      %get3A_491 = tpu.vector_load %arg20[%get3A, %get3A_490] {strides = array<i32>} : memref<512x64xf32, #tpu.memory_space<vmem>>, vector<1x16xf32>,
      %get3A_492 = vector.shape_cast %get3A_491 : vector<1x16xf32> to vector<16xf32>
      %get3A_493 = arith.index_cast %scan3A_489 : i32 to index
      %get3A_494 = arith.constant 16 : index
      %get3A_495 = tpu.vector_load %arg20[%get3A_493, %get3A_494] {strides = array<i32>} : memref<512x64xf32, #tpu.memory_space<vmem>>, vector<1x16xf32>,
      %get3A_496 = vector.shape_cast %get3A_495 : vector<1x16xf32> to vector<16xf32>
      %get3A_497 = arith.index_cast %scan3A_489 : i32 to index
      %get3A_498 = arith.constant 32 : index
      %get3A_499 = tpu.vector_load %arg20[%get3A_497, %get3A_498] {strides = array<i32>} : memref<512x64xf32, #tpu.memory_space<vmem>>, vector<1x16xf32>,
      %get3A_500 = vector.shape_cast %get3A_499 : vector<1x16xf32> to vector<16xf32>
      %get3A_501 = arith.index_cast %scan3A_489 : i32 to index
      %get3A_502 = arith.constant 48 : index
      %get3A_503 = tpu.vector_load %arg20[%get3A_501, %get3A_502] {strides = array<i32>} : memref<512x64xf32, #tpu.memory_space<vmem>>, vector<1x16xf32>,
      %get3A_504 = vector.shape_cast %get3A_503 : vector<1x16xf32> to vector<16xf32>
      %mul3A_505 = arith.mulf %get3A_492, %get3A_492 : vector<16xf32>
      %mul3A_506 = arith.mulf %get3A_496, %get3A_496 : vector<16xf32>
      %add3A_507 = arith.addf %mul3A_505, %mul3A_506 : vector<16xf32>
      %mul3A_508 = arith.mulf %get3A_500, %get3A_500 : vector<16xf32>
      %add3A_509 = arith.addf %add3A_507, %mul3A_508 : vector<16xf32>
      %mul3A_510 = arith.mulf %get3A_504, %get3A_504 : vector<16xf32>
      %add3A_511 = arith.addf %add3A_509, %mul3A_510 : vector<16xf32>
      %broadcast_in_dim3A = vector.shape_cast %xor3A_377 : vector<16xi32> to vector<16x1xi32>
      %gather3A = vector.shape_cast %broadcast_in_dim3A : vector<16x1xi32> to vector<16xi32>
      %gather3A_512 = tpu.dynamic_gather %add3A_511[%gather3A] in [0] : vector<16xf32>, vector<16xi32> -> vector<16xf32>
      %add3A_513 = arith.addf %add3A_511, %gather3A_512 : vector<16xf32>
      %broadcast_in_dim3A_514 = vector.shape_cast %xor3A_380 : vector<16xi32> to vector<16x1xi32>
      %gather3A_515 = vector.shape_cast %broadcast_in_dim3A_514 : vector<16x1xi32> to vector<16xi32>
      %gather3A_516 = tpu.dynamic_gather %add3A_513[%gather3A_515] in [0] : vector<16xf32>, vector<16xi32> -> vector<16xf32>
      %add3A_517 = arith.addf %add3A_513, %gather3A_516 : vector<16xf32>
      %broadcast_in_dim3A_518 = vector.shape_cast %xor3A_383 : vector<16xi32> to vector<16x1xi32>
      %gather3A_519 = vector.shape_cast %broadcast_in_dim3A_518 : vector<16x1xi32> to vector<16xi32>
      %gather3A_520 = tpu.dynamic_gather %add3A_517[%gather3A_519] in [0] : vector<16xf32>, vector<16xi32> -> vector<16xf32>
      %add3A_521 = arith.addf %add3A_517, %gather3A_520 : vector<16xf32>
      %broadcast_in_dim3A_522 = vector.shape_cast %xor3A_386 : vector<16xi32> to vector<16x1xi32>
      %gather3A_523 = vector.shape_cast %broadcast_in_dim3A_522 : vector<16x1xi32> to vector<16xi32>
      %gather3A_524 = tpu.dynamic_gather %add3A_521[%gather3A_523] in [0] : vector<16xf32>, vector<16xi32> -> vector<16xf32>
      %add3A_525 = arith.addf %add3A_521, %gather3A_524 : vector<16xf32>
      %bitcast_convert_type3A = tpu.bitcast %add3A_525 : vector<16xf32> -> vector<16xi32>
      %shift_right_arithmetic3A = arith.constant 1 : i32
      %shift_right_arithmetic3A_526 = vector.broadcast %shift_right_arithmetic3A : i32 to vector<16xi32>
      %shift_right_arithmetic3A_527 = arith.shrsi %bitcast_convert_type3A, %shift_right_arithmetic3A_526 : vector<16xi32>
      %sub3A = arith.constant 1597463007 : i32
      %sub3A_528 = vector.broadcast %sub3A : i32 to vector<16xi32>
      %sub3A_529 = arith.subi %sub3A_528, %shift_right_arithmetic3A_527 : vector<16xi32>
      %bitcast_convert_type3A_530 = tpu.bitcast %sub3A_529 : vector<16xi32> -> vector<16xf32>
      %mul3A_531 = arith.constant -5.000000e-01 : f32
      %mul3A_532 = vector.broadcast %mul3A_531 : f32 to vector<16xf32>
      %mul3A_533 = arith.mulf %add3A_525, %mul3A_532 : vector<16xf32>
      %mul3A_534 = arith.mulf %mul3A_533, %bitcast_convert_type3A_530 : vector<16xf32>
      %mul3A_535 = arith.mulf %mul3A_534, %bitcast_convert_type3A_530 : vector<16xf32>
      %add3A_536 = arith.constant 1.500000e+00 : f32
      %add3A_537 = vector.broadcast %add3A_536 : f32 to vector<16xf32>
      %add3A_538 = arith.addf %add3A_537, %mul3A_535 : vector<16xf32>
      %mul3A_539 = arith.mulf %bitcast_convert_type3A_530, %add3A_538 : vector<16xf32>
      %mul3A_540 = arith.mulf %mul3A_533, %mul3A_539 : vector<16xf32>
      %mul3A_541 = arith.mulf %mul3A_540, %mul3A_539 : vector<16xf32>
      %add3A_542 = arith.constant 1.500000e+00 : f32
      %add3A_543 = vector.broadcast %add3A_542 : f32 to vector<16xf32>
      %add3A_544 = arith.addf %add3A_543, %mul3A_541 : vector<16xf32>
      %mul3A_545 = arith.mulf %mul3A_539, %add3A_544 : vector<16xf32>
      %mul3A_546 = arith.mulf %mul3A_533, %mul3A_545 : vector<16xf32>
      %mul3A_547 = arith.mulf %mul3A_546, %mul3A_545 : vector<16xf32>
      %add3A_548 = arith.constant 1.500000e+00 : f32
      %add3A_549 = vector.broadcast %add3A_548 : f32 to vector<16xf32>
      %add3A_550 = arith.addf %add3A_549, %mul3A_547 : vector<16xf32>
      %mul3A_551 = arith.mulf %mul3A_545, %add3A_550 : vector<16xf32>
      %mul3A_552 = arith.mulf %get3A_492, %mul3A_551 : vector<16xf32>
      %swap3A = arith.index_cast %scan3A_489 : i32 to index
      %swap3A_553 = arith.constant 0 : index
      %swap3A_554 = tpu.vector_load %arg20[%swap3A, %swap3A_553] {strides = array<i32>} : memref<512x64xf32, #tpu.memory_space<vmem>>, vector<1x16xf32>,
      %swap3A_555 = vector.shape_cast %swap3A_554 : vector<1x16xf32> to vector<16xf32>
      %swap3A_556 = vector.shape_cast %mul3A_552 : vector<16xf32> to vector<1x16xf32>
      tpu.vector_store %arg20[%swap3A, %swap3A_553], %swap3A_556 {strides = array<i32>} : memref<512x64xf32, #tpu.memory_space<vmem>>, vector<1x16xf32>,
      %mul3A_557 = arith.mulf %get3A_496, %mul3A_551 : vector<16xf32>
      %swap3A_558 = arith.index_cast %scan3A_489 : i32 to index
      %swap3A_559 = arith.constant 16 : index
      %swap3A_560 = tpu.vector_load %arg20[%swap3A_558, %swap3A_559] {strides = array<i32>} : memref<512x64xf32, #tpu.memory_space<vmem>>, vector<1x16xf32>,
      %swap3A_561 = vector.shape_cast %swap3A_560 : vector<1x16xf32> to vector<16xf32>
      %swap3A_562 = vector.shape_cast %mul3A_557 : vector<16xf32> to vector<1x16xf32>
      tpu.vector_store %arg20[%swap3A_558, %swap3A_559], %swap3A_562 {strides = array<i32>} : memref<512x64xf32, #tpu.memory_space<vmem>>, vector<1x16xf32>,
      %mul3A_563 = arith.mulf %get3A_500, %mul3A_551 : vector<16xf32>
      %swap3A_564 = arith.index_cast %scan3A_489 : i32 to index
      %swap3A_565 = arith.constant 32 : index
      %swap3A_566 = tpu.vector_load %arg20[%swap3A_564, %swap3A_565] {strides = array<i32>} : memref<512x64xf32, #tpu.memory_space<vmem>>, vector<1x16xf32>,
      %swap3A_567 = vector.shape_cast %swap3A_566 : vector<1x16xf32> to vector<16xf32>
      %swap3A_568 = vector.shape_cast %mul3A_563 : vector<16xf32> to vector<1x16xf32>
      tpu.vector_store %arg20[%swap3A_564, %swap3A_565], %swap3A_568 {strides = array<i32>} : memref<512x64xf32, #tpu.memory_space<vmem>>, vector<1x16xf32>,
      %mul3A_569 = arith.mulf %get3A_504, %mul3A_551 : vector<16xf32>
      %swap3A_570 = arith.index_cast %scan3A_489 : i32 to index
      %swap3A_571 = arith.constant 48 : index
      %swap3A_572 = tpu.vector_load %arg20[%swap3A_570, %swap3A_571] {strides = array<i32>} : memref<512x64xf32, #tpu.memory_space<vmem>>, vector<1x16xf32>,
      %swap3A_573 = vector.shape_cast %swap3A_572 : vector<1x16xf32> to vector<16xf32>
      %swap3A_574 = vector.shape_cast %mul3A_569 : vector<16xf32> to vector<1x16xf32>
      tpu.vector_store %arg20[%swap3A_570, %swap3A_571], %swap3A_574 {strides = array<i32>} : memref<512x64xf32, #tpu.memory_space<vmem>>, vector<1x16xf32>,
    }
    %scan3A_392 = arith.constant 512 : i32
    %dma_wait3A_393 = arith.constant 0 : i32
    %dma_wait3A_394 = arith.constant 0 : i32
    %dma_wait3A_395 = tpu.memref_slice %arg21[%dma_wait3A_394] : memref<512xf32, #tpu.memory_space<vmem>> -> memref<128xf32, #tpu.memory_space<vmem>>
    %dma_wait3A_396 = arith.constant 0 : i32
    %dma_wait3A_397 = tpu.memref_slice %arg15[%dma_wait3A_393, %dma_wait3A_396] : memref<4x128xi32, #tpu.memory_space<vmem>> -> memref<1x128xi32, #tpu.memory_space<vmem>>
    %dma_wait3A_398 = tpu.memref_squeeze %dma_wait3A_397 : memref<1x128xi32, #tpu.memory_space<vmem>> -> memref<128xi32, #tpu.memory_space<vmem>>
    %dma_wait3A_399 = arith.constant 0 : i32
    %dma_wait3A_400 = tpu.memref_slice %arg7[%dma_wait3A_399] : memref<1000001xf32, #tpu.memory_space<hbm>> -> memref<1000001xf32, #tpu.memory_space<hbm>>
    tpu.wait_indirect_dma semaphore(%arg27 : memref<!tpu.dma_semaphore, #tpu.memory_space<semaphore_mem>>) src(%dma_wait3A_400 : memref<1000001xf32, #tpu.memory_space<hbm>>) dst(%dma_wait3A_395 : memref<128xf32, #tpu.memory_space<vmem>>)
    %dma_wait3A_401 = arith.constant 0 : i32
    %dma_wait3A_402 = arith.constant 0 : i32
    %dma_wait3A_403 = tpu.memref_slice %arg22[%dma_wait3A_402] : memref<512xf32, #tpu.memory_space<vmem>> -> memref<128xf32, #tpu.memory_space<vmem>>
    %dma_wait3A_404 = arith.constant 0 : i32
    %dma_wait3A_405 = tpu.memref_slice %arg16[%dma_wait3A_401, %dma_wait3A_404] : memref<4x128xi32, #tpu.memory_space<vmem>> -> memref<1x128xi32, #tpu.memory_space<vmem>>
    %dma_wait3A_406 = tpu.memref_squeeze %dma_wait3A_405 : memref<1x128xi32, #tpu.memory_space<vmem>> -> memref<128xi32, #tpu.memory_space<vmem>>
    %dma_wait3A_407 = arith.constant 0 : i32
    %dma_wait3A_408 = tpu.memref_slice %arg8[%dma_wait3A_407] : memref<1000001xf32, #tpu.memory_space<hbm>> -> memref<1000001xf32, #tpu.memory_space<hbm>>
    tpu.wait_indirect_dma semaphore(%arg27 : memref<!tpu.dma_semaphore, #tpu.memory_space<semaphore_mem>>) src(%dma_wait3A_408 : memref<1000001xf32, #tpu.memory_space<hbm>>) dst(%dma_wait3A_403 : memref<128xf32, #tpu.memory_space<vmem>>)
    %dma_wait3A_409 = arith.constant 0 : i32
    %dma_wait3A_410 = arith.constant 0 : i32
    %dma_wait3A_411 = tpu.memref_slice %arg23[%dma_wait3A_410] : memref<512xf32, #tpu.memory_space<vmem>> -> memref<128xf32, #tpu.memory_space<vmem>>
    %dma_wait3A_412 = arith.constant 0 : i32
    %dma_wait3A_413 = tpu.memref_slice %arg17[%dma_wait3A_409, %dma_wait3A_412] : memref<4x128xi32, #tpu.memory_space<vmem>> -> memref<1x128xi32, #tpu.memory_space<vmem>>
    %dma_wait3A_414 = tpu.memref_squeeze %dma_wait3A_413 : memref<1x128xi32, #tpu.memory_space<vmem>> -> memref<128xi32, #tpu.memory_space<vmem>>
    %dma_wait3A_415 = arith.constant 0 : i32
    %dma_wait3A_416 = tpu.memref_slice %arg8[%dma_wait3A_415] : memref<1000001xf32, #tpu.memory_space<hbm>> -> memref<1000001xf32, #tpu.memory_space<hbm>>
    tpu.wait_indirect_dma semaphore(%arg27 : memref<!tpu.dma_semaphore, #tpu.memory_space<semaphore_mem>>) src(%dma_wait3A_416 : memref<1000001xf32, #tpu.memory_space<hbm>>) dst(%dma_wait3A_411 : memref<128xf32, #tpu.memory_space<vmem>>)
    %dma_wait3A_417 = arith.constant 1 : i32
    %dma_wait3A_418 = arith.constant 128 : i32
    %dma_wait3A_419 = tpu.memref_slice %arg21[%dma_wait3A_418] : memref<512xf32, #tpu.memory_space<vmem>> -> memref<128xf32, #tpu.memory_space<vmem>>
    %dma_wait3A_420 = arith.constant 0 : i32
    %dma_wait3A_421 = tpu.memref_slice %arg15[%dma_wait3A_417, %dma_wait3A_420] : memref<4x128xi32, #tpu.memory_space<vmem>> -> memref<1x128xi32, #tpu.memory_space<vmem>>
    %dma_wait3A_422 = tpu.memref_squeeze %dma_wait3A_421 : memref<1x128xi32, #tpu.memory_space<vmem>> -> memref<128xi32, #tpu.memory_space<vmem>>
    %dma_wait3A_423 = arith.constant 0 : i32
    %dma_wait3A_424 = tpu.memref_slice %arg7[%dma_wait3A_423] : memref<1000001xf32, #tpu.memory_space<hbm>> -> memref<1000001xf32, #tpu.memory_space<hbm>>
    tpu.wait_indirect_dma semaphore(%arg27 : memref<!tpu.dma_semaphore, #tpu.memory_space<semaphore_mem>>) src(%dma_wait3A_424 : memref<1000001xf32, #tpu.memory_space<hbm>>) dst(%dma_wait3A_419 : memref<128xf32, #tpu.memory_space<vmem>>)
    %dma_wait3A_425 = arith.constant 1 : i32
    %dma_wait3A_426 = arith.constant 128 : i32
    %dma_wait3A_427 = tpu.memref_slice %arg22[%dma_wait3A_426] : memref<512xf32, #tpu.memory_space<vmem>> -> memref<128xf32, #tpu.memory_space<vmem>>
    %dma_wait3A_428 = arith.constant 0 : i32
    %dma_wait3A_429 = tpu.memref_slice %arg16[%dma_wait3A_425, %dma_wait3A_428] : memref<4x128xi32, #tpu.memory_space<vmem>> -> memref<1x128xi32, #tpu.memory_space<vmem>>
    %dma_wait3A_430 = tpu.memref_squeeze %dma_wait3A_429 : memref<1x128xi32, #tpu.memory_space<vmem>> -> memref<128xi32, #tpu.memory_space<vmem>>
    %dma_wait3A_431 = arith.constant 0 : i32
    %dma_wait3A_432 = tpu.memref_slice %arg8[%dma_wait3A_431] : memref<1000001xf32, #tpu.memory_space<hbm>> -> memref<1000001xf32, #tpu.memory_space<hbm>>
    tpu.wait_indirect_dma semaphore(%arg27 : memref<!tpu.dma_semaphore, #tpu.memory_space<semaphore_mem>>) src(%dma_wait3A_432 : memref<1000001xf32, #tpu.memory_space<hbm>>) dst(%dma_wait3A_427 : memref<128xf32, #tpu.memory_space<vmem>>)
    %dma_wait3A_433 = arith.constant 1 : i32
    %dma_wait3A_434 = arith.constant 128 : i32
    %dma_wait3A_435 = tpu.memref_slice %arg23[%dma_wait3A_434] : memref<512xf32, #tpu.memory_space<vmem>> -> memref<128xf32, #tpu.memory_space<vmem>>
    %dma_wait3A_436 = arith.constant 0 : i32
    %dma_wait3A_437 = tpu.memref_slice %arg17[%dma_wait3A_433, %dma_wait3A_436] : memref<4x128xi32, #tpu.memory_space<vmem>> -> memref<1x128xi32, #tpu.memory_space<vmem>>
    %dma_wait3A_438 = tpu.memref_squeeze %dma_wait3A_437 : memref<1x128xi32, #tpu.memory_space<vmem>> -> memref<128xi32, #tpu.memory_space<vmem>>
    %dma_wait3A_439 = arith.constant 0 : i32
    %dma_wait3A_440 = tpu.memref_slice %arg8[%dma_wait3A_439] : memref<1000001xf32, #tpu.memory_space<hbm>> -> memref<1000001xf32, #tpu.memory_space<hbm>>
    tpu.wait_indirect_dma semaphore(%arg27 : memref<!tpu.dma_semaphore, #tpu.memory_space<semaphore_mem>>) src(%dma_wait3A_440 : memref<1000001xf32, #tpu.memory_space<hbm>>) dst(%dma_wait3A_435 : memref<128xf32, #tpu.memory_space<vmem>>)
    %dma_wait3A_441 = arith.constant 2 : i32
    %dma_wait3A_442 = arith.constant 256 : i32
    %dma_wait3A_443 = tpu.memref_slice %arg21[%dma_wait3A_442] : memref<512xf32, #tpu.memory_space<vmem>> -> memref<128xf32, #tpu.memory_space<vmem>>
    %dma_wait3A_444 = arith.constant 0 : i32
    %dma_wait3A_445 = tpu.memref_slice %arg15[%dma_wait3A_441, %dma_wait3A_444] : memref<4x128xi32, #tpu.memory_space<vmem>> -> memref<1x128xi32, #tpu.memory_space<vmem>>
    %dma_wait3A_446 = tpu.memref_squeeze %dma_wait3A_445 : memref<1x128xi32, #tpu.memory_space<vmem>> -> memref<128xi32, #tpu.memory_space<vmem>>
    %dma_wait3A_447 = arith.constant 0 : i32
    %dma_wait3A_448 = tpu.memref_slice %arg7[%dma_wait3A_447] : memref<1000001xf32, #tpu.memory_space<hbm>> -> memref<1000001xf32, #tpu.memory_space<hbm>>
    tpu.wait_indirect_dma semaphore(%arg27 : memref<!tpu.dma_semaphore, #tpu.memory_space<semaphore_mem>>) src(%dma_wait3A_448 : memref<1000001xf32, #tpu.memory_space<hbm>>) dst(%dma_wait3A_443 : memref<128xf32, #tpu.memory_space<vmem>>)
    %dma_wait3A_449 = arith.constant 2 : i32
    %dma_wait3A_450 = arith.constant 256 : i32
    %dma_wait3A_451 = tpu.memref_slice %arg22[%dma_wait3A_450] : memref<512xf32, #tpu.memory_space<vmem>> -> memref<128xf32, #tpu.memory_space<vmem>>
    %dma_wait3A_452 = arith.constant 0 : i32
    %dma_wait3A_453 = tpu.memref_slice %arg16[%dma_wait3A_449, %dma_wait3A_452] : memref<4x128xi32, #tpu.memory_space<vmem>> -> memref<1x128xi32, #tpu.memory_space<vmem>>
    %dma_wait3A_454 = tpu.memref_squeeze %dma_wait3A_453 : memref<1x128xi32, #tpu.memory_space<vmem>> -> memref<128xi32, #tpu.memory_space<vmem>>
    %dma_wait3A_455 = arith.constant 0 : i32
    %dma_wait3A_456 = tpu.memref_slice %arg8[%dma_wait3A_455] : memref<1000001xf32, #tpu.memory_space<hbm>> -> memref<1000001xf32, #tpu.memory_space<hbm>>
    tpu.wait_indirect_dma semaphore(%arg27 : memref<!tpu.dma_semaphore, #tpu.memory_space<semaphore_mem>>) src(%dma_wait3A_456 : memref<1000001xf32, #tpu.memory_space<hbm>>) dst(%dma_wait3A_451 : memref<128xf32, #tpu.memory_space<vmem>>)
    %dma_wait3A_457 = arith.constant 2 : i32
    %dma_wait3A_458 = arith.constant 256 : i32
    %dma_wait3A_459 = tpu.memref_slice %arg23[%dma_wait3A_458] : memref<512xf32, #tpu.memory_space<vmem>> -> memref<128xf32, #tpu.memory_space<vmem>>
    %dma_wait3A_460 = arith.constant 0 : i32
    %dma_wait3A_461 = tpu.memref_slice %arg17[%dma_wait3A_457, %dma_wait3A_460] : memref<4x128xi32, #tpu.memory_space<vmem>> -> memref<1x128xi32, #tpu.memory_space<vmem>>
    %dma_wait3A_462 = tpu.memref_squeeze %dma_wait3A_461 : memref<1x128xi32, #tpu.memory_space<vmem>> -> memref<128xi32, #tpu.memory_space<vmem>>
    %dma_wait3A_463 = arith.constant 0 : i32
    %dma_wait3A_464 = tpu.memref_slice %arg8[%dma_wait3A_463] : memref<1000001xf32, #tpu.memory_space<hbm>> -> memref<1000001xf32, #tpu.memory_space<hbm>>
    tpu.wait_indirect_dma semaphore(%arg27 : memref<!tpu.dma_semaphore, #tpu.memory_space<semaphore_mem>>) src(%dma_wait3A_464 : memref<1000001xf32, #tpu.memory_space<hbm>>) dst(%dma_wait3A_459 : memref<128xf32, #tpu.memory_space<vmem>>)
    %dma_wait3A_465 = arith.constant 3 : i32
    %dma_wait3A_466 = arith.constant 384 : i32
    %dma_wait3A_467 = tpu.memref_slice %arg21[%dma_wait3A_466] : memref<512xf32, #tpu.memory_space<vmem>> -> memref<128xf32, #tpu.memory_space<vmem>>
    %dma_wait3A_468 = arith.constant 0 : i32
    %dma_wait3A_469 = tpu.memref_slice %arg15[%dma_wait3A_465, %dma_wait3A_468] : memref<4x128xi32, #tpu.memory_space<vmem>> -> memref<1x128xi32, #tpu.memory_space<vmem>>
    %dma_wait3A_470 = tpu.memref_squeeze %dma_wait3A_469 : memref<1x128xi32, #tpu.memory_space<vmem>> -> memref<128xi32, #tpu.memory_space<vmem>>
    %dma_wait3A_471 = arith.constant 0 : i32
    %dma_wait3A_472 = tpu.memref_slice %arg7[%dma_wait3A_471] : memref<1000001xf32, #tpu.memory_space<hbm>> -> memref<1000001xf32, #tpu.memory_space<hbm>>
    tpu.wait_indirect_dma semaphore(%arg27 : memref<!tpu.dma_semaphore, #tpu.memory_space<semaphore_mem>>) src(%dma_wait3A_472 : memref<1000001xf32, #tpu.memory_space<hbm>>) dst(%dma_wait3A_467 : memref<128xf32, #tpu.memory_space<vmem>>)
    %dma_wait3A_473 = arith.constant 3 : i32
    %dma_wait3A_474 = arith.constant 384 : i32
    %dma_wait3A_475 = tpu.memref_slice %arg22[%dma_wait3A_474] : memref<512xf32, #tpu.memory_space<vmem>> -> memref<128xf32, #tpu.memory_space<vmem>>
    %dma_wait3A_476 = arith.constant 0 : i32
    %dma_wait3A_477 = tpu.memref_slice %arg16[%dma_wait3A_473, %dma_wait3A_476] : memref<4x128xi32, #tpu.memory_space<vmem>> -> memref<1x128xi32, #tpu.memory_space<vmem>>
    %dma_wait3A_478 = tpu.memref_squeeze %dma_wait3A_477 : memref<1x128xi32, #tpu.memory_space<vmem>> -> memref<128xi32, #tpu.memory_space<vmem>>
    %dma_wait3A_479 = arith.constant 0 : i32
    %dma_wait3A_480 = tpu.memref_slice %arg8[%dma_wait3A_479] : memref<1000001xf32, #tpu.memory_space<hbm>> -> memref<1000001xf32, #tpu.memory_space<hbm>>
    tpu.wait_indirect_dma semaphore(%arg27 : memref<!tpu.dma_semaphore, #tpu.memory_space<semaphore_mem>>) src(%dma_wait3A_480 : memref<1000001xf32, #tpu.memory_space<hbm>>) dst(%dma_wait3A_475 : memref<128xf32, #tpu.memory_space<vmem>>)
    %dma_wait3A_481 = arith.constant 3 : i32
    %dma_wait3A_482 = arith.constant 384 : i32
    %dma_wait3A_483 = tpu.memref_slice %arg23[%dma_wait3A_482] : memref<512xf32, #tpu.memory_space<vmem>> -> memref<128xf32, #tpu.memory_space<vmem>>
    %dma_wait3A_484 = arith.constant 0 : i32
    %dma_wait3A_485 = tpu.memref_slice %arg17[%dma_wait3A_481, %dma_wait3A_484] : memref<4x128xi32, #tpu.memory_space<vmem>> -> memref<1x128xi32, #tpu.memory_space<vmem>>
    %dma_wait3A_486 = tpu.memref_squeeze %dma_wait3A_485 : memref<1x128xi32, #tpu.memory_space<vmem>> -> memref<128xi32, #tpu.memory_space<vmem>>
    %dma_wait3A_487 = arith.constant 0 : i32
    %dma_wait3A_488 = tpu.memref_slice %arg8[%dma_wait3A_487] : memref<1000001xf32, #tpu.memory_space<hbm>> -> memref<1000001xf32, #tpu.memory_space<hbm>>
    tpu.wait_indirect_dma semaphore(%arg27 : memref<!tpu.dma_semaphore, #tpu.memory_space<semaphore_mem>>) src(%dma_wait3A_488 : memref<1000001xf32, #tpu.memory_space<hbm>>) dst(%dma_wait3A_483 : memref<128xf32, #tpu.memory_space<vmem>>)
    "tpu.region"() ({
      %run_scoped3A = tpu.sem_alloc : memref<!tpu.dma_semaphore, #tpu.memory_space<semaphore_mem>>
      %dma_start3A_489 = arith.constant 0 : i32
      %dma_start3A_490 = tpu.memref_slice %arg9[%mul3A_2, %dma_start3A_489] : memref<16384x64xf32, #tpu.memory_space<hbm>> -> memref<512x64xf32, #tpu.memory_space<hbm>>
      %dma_start3A_491 = arith.constant 0 : i32
      %dma_start3A_492 = tpu.memref_slice %arg9[%mul3A_2, %dma_start3A_491] : memref<16384x64xf32, #tpu.memory_space<hbm>> -> memref<512x64xf32, #tpu.memory_space<hbm>>
      tpu.enqueue_dma source(%arg18 : memref<512x64xf32, #tpu.memory_space<vmem>>) target(%dma_start3A_492 : memref<512x64xf32, #tpu.memory_space<hbm>>) target_semaphore(%run_scoped3A : memref<!tpu.dma_semaphore, #tpu.memory_space<semaphore_mem>>)
      %dma_wait3A_493 = arith.constant 0 : i32
      %dma_wait3A_494 = tpu.memref_slice %arg9[%mul3A_2, %dma_wait3A_493] : memref<16384x64xf32, #tpu.memory_space<hbm>> -> memref<512x64xf32, #tpu.memory_space<hbm>>
      %dma_wait3A_495 = arith.constant 0 : i32
      %dma_wait3A_496 = tpu.memref_slice %arg9[%mul3A_2, %dma_wait3A_495] : memref<16384x64xf32, #tpu.memory_space<hbm>> -> memref<512x64xf32, #tpu.memory_space<hbm>>
      tpu.wait_dma2 semaphore(%run_scoped3A : memref<!tpu.dma_semaphore, #tpu.memory_space<semaphore_mem>>) src(%arg18 : memref<512x64xf32, #tpu.memory_space<vmem>>) dst(%dma_wait3A_496 : memref<512x64xf32, #tpu.memory_space<hbm>>)
      tpu.yield
    }) : () -> ()
    "tpu.region"() ({
      %run_scoped3A = tpu.sem_alloc : memref<!tpu.dma_semaphore, #tpu.memory_space<semaphore_mem>>
      %dma_start3A_489 = arith.constant 0 : i32
      %dma_start3A_490 = tpu.memref_slice %arg10[%mul3A_2, %dma_start3A_489] : memref<16384x64xf32, #tpu.memory_space<hbm>> -> memref<512x64xf32, #tpu.memory_space<hbm>>
      %dma_start3A_491 = arith.constant 0 : i32
      %dma_start3A_492 = tpu.memref_slice %arg10[%mul3A_2, %dma_start3A_491] : memref<16384x64xf32, #tpu.memory_space<hbm>> -> memref<512x64xf32, #tpu.memory_space<hbm>>
      tpu.enqueue_dma source(%arg19 : memref<512x64xf32, #tpu.memory_space<vmem>>) target(%dma_start3A_492 : memref<512x64xf32, #tpu.memory_space<hbm>>) target_semaphore(%run_scoped3A : memref<!tpu.dma_semaphore, #tpu.memory_space<semaphore_mem>>)
      %dma_wait3A_493 = arith.constant 0 : i32
      %dma_wait3A_494 = tpu.memref_slice %arg10[%mul3A_2, %dma_wait3A_493] : memref<16384x64xf32, #tpu.memory_space<hbm>> -> memref<512x64xf32, #tpu.memory_space<hbm>>
      %dma_wait3A_495 = arith.constant 0 : i32
      %dma_wait3A_496 = tpu.memref_slice %arg10[%mul3A_2, %dma_wait3A_495] : memref<16384x64xf32, #tpu.memory_space<hbm>> -> memref<512x64xf32, #tpu.memory_space<hbm>>
      tpu.wait_dma2 semaphore(%run_scoped3A : memref<!tpu.dma_semaphore, #tpu.memory_space<semaphore_mem>>) src(%arg19 : memref<512x64xf32, #tpu.memory_space<vmem>>) dst(%dma_wait3A_496 : memref<512x64xf32, #tpu.memory_space<hbm>>)
      tpu.yield
    }) : () -> ()
    "tpu.region"() ({
      %run_scoped3A = tpu.sem_alloc : memref<!tpu.dma_semaphore, #tpu.memory_space<semaphore_mem>>
      %dma_start3A_489 = arith.constant 0 : i32
      %dma_start3A_490 = tpu.memref_slice %arg11[%mul3A_2, %dma_start3A_489] : memref<16384x64xf32, #tpu.memory_space<hbm>> -> memref<512x64xf32, #tpu.memory_space<hbm>>
      %dma_start3A_491 = arith.constant 0 : i32
      %dma_start3A_492 = tpu.memref_slice %arg11[%mul3A_2, %dma_start3A_491] : memref<16384x64xf32, #tpu.memory_space<hbm>> -> memref<512x64xf32, #tpu.memory_space<hbm>>
      tpu.enqueue_dma source(%arg20 : memref<512x64xf32, #tpu.memory_space<vmem>>) target(%dma_start3A_492 : memref<512x64xf32, #tpu.memory_space<hbm>>) target_semaphore(%run_scoped3A : memref<!tpu.dma_semaphore, #tpu.memory_space<semaphore_mem>>)
      %dma_wait3A_493 = arith.constant 0 : i32
      %dma_wait3A_494 = tpu.memref_slice %arg11[%mul3A_2, %dma_wait3A_493] : memref<16384x64xf32, #tpu.memory_space<hbm>> -> memref<512x64xf32, #tpu.memory_space<hbm>>
      %dma_wait3A_495 = arith.constant 0 : i32
      %dma_wait3A_496 = tpu.memref_slice %arg11[%mul3A_2, %dma_wait3A_495] : memref<16384x64xf32, #tpu.memory_space<hbm>> -> memref<512x64xf32, #tpu.memory_space<hbm>>
      tpu.wait_dma2 semaphore(%run_scoped3A : memref<!tpu.dma_semaphore, #tpu.memory_space<semaphore_mem>>) src(%arg20 : memref<512x64xf32, #tpu.memory_space<vmem>>) dst(%dma_wait3A_496 : memref<512x64xf32, #tpu.memory_space<hbm>>)
      tpu.yield
    }) : () -> ()
    "tpu.region"() ({
      %run_scoped3A = tpu.sem_alloc : memref<!tpu.dma_semaphore, #tpu.memory_space<semaphore_mem>>
      %dma_start3A_489 = tpu.memref_slice %arg12[%mul3A_2] : memref<16384xf32, #tpu.memory_space<hbm>> -> memref<512xf32, #tpu.memory_space<hbm>>
      %dma_start3A_490 = tpu.memref_slice %arg12[%mul3A_2] : memref<16384xf32, #tpu.memory_space<hbm>> -> memref<512xf32, #tpu.memory_space<hbm>>
      tpu.enqueue_dma source(%arg21 : memref<512xf32, #tpu.memory_space<vmem>>) target(%dma_start3A_490 : memref<512xf32, #tpu.memory_space<hbm>>) target_semaphore(%run_scoped3A : memref<!tpu.dma_semaphore, #tpu.memory_space<semaphore_mem>>)
      %dma_wait3A_491 = tpu.memref_slice %arg12[%mul3A_2] : memref<16384xf32, #tpu.memory_space<hbm>> -> memref<512xf32, #tpu.memory_space<hbm>>
      %dma_wait3A_492 = tpu.memref_slice %arg12[%mul3A_2] : memref<16384xf32, #tpu.memory_space<hbm>> -> memref<512xf32, #tpu.memory_space<hbm>>
      tpu.wait_dma2 semaphore(%run_scoped3A : memref<!tpu.dma_semaphore, #tpu.memory_space<semaphore_mem>>) src(%arg21 : memref<512xf32, #tpu.memory_space<vmem>>) dst(%dma_wait3A_492 : memref<512xf32, #tpu.memory_space<hbm>>)
      tpu.yield
    }) : () -> ()
    "tpu.region"() ({
      %run_scoped3A = tpu.sem_alloc : memref<!tpu.dma_semaphore, #tpu.memory_space<semaphore_mem>>
      %dma_start3A_489 = tpu.memref_slice %arg13[%mul3A_2] : memref<16384xf32, #tpu.memory_space<hbm>> -> memref<512xf32, #tpu.memory_space<hbm>>
      %dma_start3A_490 = tpu.memref_slice %arg13[%mul3A_2] : memref<16384xf32, #tpu.memory_space<hbm>> -> memref<512xf32, #tpu.memory_space<hbm>>
      tpu.enqueue_dma source(%arg22 : memref<512xf32, #tpu.memory_space<vmem>>) target(%dma_start3A_490 : memref<512xf32, #tpu.memory_space<hbm>>) target_semaphore(%run_scoped3A : memref<!tpu.dma_semaphore, #tpu.memory_space<semaphore_mem>>)
      %dma_wait3A_491 = tpu.memref_slice %arg13[%mul3A_2] : memref<16384xf32, #tpu.memory_space<hbm>> -> memref<512xf32, #tpu.memory_space<hbm>>
      %dma_wait3A_492 = tpu.memref_slice %arg13[%mul3A_2] : memref<16384xf32, #tpu.memory_space<hbm>> -> memref<512xf32, #tpu.memory_space<hbm>>
      tpu.wait_dma2 semaphore(%run_scoped3A : memref<!tpu.dma_semaphore, #tpu.memory_space<semaphore_mem>>) src(%arg22 : memref<512xf32, #tpu.memory_space<vmem>>) dst(%dma_wait3A_492 : memref<512xf32, #tpu.memory_space<hbm>>)
      tpu.yield
    }) : () -> ()
    "tpu.region"() ({
      %run_scoped3A = tpu.sem_alloc : memref<!tpu.dma_semaphore, #tpu.memory_space<semaphore_mem>>
      %dma_start3A_489 = tpu.memref_slice %arg14[%mul3A_2] : memref<16384xf32, #tpu.memory_space<hbm>> -> memref<512xf32, #tpu.memory_space<hbm>>
      %dma_start3A_490 = tpu.memref_slice %arg14[%mul3A_2] : memref<16384xf32, #tpu.memory_space<hbm>> -> memref<512xf32, #tpu.memory_space<hbm>>
      tpu.enqueue_dma source(%arg23 : memref<512xf32, #tpu.memory_space<vmem>>) target(%dma_start3A_490 : memref<512xf32, #tpu.memory_space<hbm>>) target_semaphore(%run_scoped3A : memref<!tpu.dma_semaphore, #tpu.memory_space<semaphore_mem>>)
      %dma_wait3A_491 = tpu.memref_slice %arg14[%mul3A_2] : memref<16384xf32, #tpu.memory_space<hbm>> -> memref<512xf32, #tpu.memory_space<hbm>>
      %dma_wait3A_492 = tpu.memref_slice %arg14[%mul3A_2] : memref<16384xf32, #tpu.memory_space<hbm>> -> memref<512xf32, #tpu.memory_space<hbm>>
      tpu.wait_dma2 semaphore(%run_scoped3A : memref<!tpu.dma_semaphore, #tpu.memory_space<semaphore_mem>>) src(%arg23 : memref<512xf32, #tpu.memory_space<vmem>>) dst(%dma_wait3A_492 : memref<512xf32, #tpu.memory_space<hbm>>)
      tpu.yield
    }) : () -> ()
    return
  }
}

module attributes {stable_mosaic.version = 14 : i64} {
  func.func @_squeeze_body(%arg0: i32, %arg1: memref<8192x1xf32, #tpu.memory_space<vmem>>, %arg2: memref<8192xf32, #tpu.memory_space<vmem>>) attributes {dimension_semantics = [#tpu.dimension_semantics<arbitrary>], iteration_bounds = array<i64: 123>, scalar_prefetch = 0 : i64, scratch_operands = 0 : i64, tpu.core_type = #tpu.core_type<tc>, window_params = [{transform_indices = @transform_0, window_bounds = array<i64: 8192, 1>}, {transform_indices = @transform_1, window_bounds = array<i64: 8192>}]} {
    %get3A = arith.constant 0 : index
    %get3A_0 = arith.constant 0 : index
    %get3A_1 = vector.load %arg1[%get3A, %get3A_0] : memref<8192x1xf32, #tpu.memory_space<vmem>>, vector<8192x1xf32>
    %reshape3A = vector.shape_cast %get3A_1 : vector<8192x1xf32> to vector<8192xf32>
    %swap3A = arith.constant 0 : index
    %swap3A_2 = vector.load %arg2[%swap3A] : memref<8192xf32, #tpu.memory_space<vmem>>, vector<8192xf32>
    tpu.vector_store %arg2[%swap3A], %reshape3A {strides = array<i32>} : memref<8192xf32, #tpu.memory_space<vmem>>, vector<8192xf32>,
    return
  }
  func.func @transform_0(%arg0: i32) -> (i32, i32) {
    %c0_i32 = arith.constant 0 : i32
    %c0_i32_0 = arith.constant 0 : i32
    return %arg0, %c0_i32 : i32, i32
  }
  func.func @transform_1(%arg0: i32) -> i32 {
    %c0_i32 = arith.constant 0 : i32
    return %arg0 : i32
  }
}

</mosaic_0001>

<sc_bundles>
// kernel: _bpr_lookup.5.cloned.1.call-start
scs
__scs_entry_jumppad:
0x0: {  	(pc) =	sbr.rel $0x88, $3  }
0x1: {  	(tag) =	ssettag $0x0;
	lr =	simm.s32 $0x1  }
0x2: {  	[smem:$0x3F9A] =	sst lr;
	_ =	strace $0xD0000000  }
0x3: {  	_ = 	snop  }
0x4: {  	_ = 	snop  }
0x5: {  	_ = 	snop  }
0x6: {  	_ = 	snop  }
0x7: {  	_ = 	snop  }
__scs_overlays_trampoline_lowered:
0x8: {  	[smem:$0x3FA9] =	sst s0  }
0x9: {  	[smem:$0x3FAA] =	sst s1  }
0xa: {  	[smem:$0x3FAB] =	sst s2  }
0xb: {  	[smem:$0x3FAC] =	sst s3  }
0xc: {  	[smem:$0x3FAD] =	sst s4  }
0xd: {  	[smem:$0x3FAE] =	sst s5  }
0xe: {  	[smem:$0x3FAF] =	sst s6  }
0xf: {  	[smem:$0x3FB0] =	sst s7  }
0x10: {  	[smem:$0x3FB1] =	sst s8  }
0x11: {  	[smem:$0x3FB2] =	sst s9;
	s0 =	simm.s32 @!p0 $0x0  }
0x12: {  	s1 =	sld [smem:$0x3F98];
	s0 =	simm.s32 @p0 $0x1  }
0x13: {  	[smem:$0x3FB3] =	sst s0;
	s0 =	simm.s32 @!p1 $0x0  }
0x14: {  	s2 =	sld [smem:$0x3F97];
	s0 =	simm.s32 @p1 $0x1  }
0x15: {  	[smem:$0x3FB4] =	sst s0;
	s0 =	simm.s32 @!p2 $0x0  }
0x16: {  	s3 =	sld [smem:$0x3FDB];
	s0 =	simm.s32 @p2 $0x1  }
0x17: {  	s4 =	simm.s32 $0x1BF5;
	[smem:$0x3FB6] =	sst s0  }
0x18: {  	s0 =	sld [smem:$0x3F99];
	_ =	swait.ge [sflag:s4], $0x0  }
0x19: {  	s7 =	sld [smem:$0x3F9A]  }
0x1a: {  	s8 =	sadd.s32 $0xFFFFE003, lr  }
0x1b: {  	s9 =	sadd.s32 $0xFFFFFEF7, lr;
	s5 =	simm.s32 $0xFFFFFFFF;
	p2 =	slt.u32 s8, $0xFFFFF086  }
0x1c: {  	p1 =	slt.u32 s9, $0xF7A;
	s5 =	simm.s32 @!p2 $0x0  }
0x1d: {  	s5 =	simm.s32 @p1 $0x1;
	p0 =	seq.s32 s7, s2  }
0x1e: {  	s7 =	smul.u32 @!p0 $0xF7A, s2;
	p2 =	seq.s32 @!p0 s5, $0x0  }
0x1f: {  	s9 =	smul.u32 $0xF7A, s1;
	s8 =	simm.s32 @!p0 $0x1BF5;
	p2 =	por !p2, p0  }
0x20: {  	[sflag:s8] =	ssyncset.s32 @!p0 $0xFFFFF086;
	s6 =	sadd.s32 @!p0 s3, s7;
	s7 =	simm.s32 @!p0 $0x108  }
0x21: {  	s3 =	sadd.s32 s3, s9;
	s6 =	sadd.s32 @!p0 $0x88, s6;
	s7 =	simm.s32 @p2 $0x1082  }
0x22: {  	[simem:s7], [sflag:s8] =	dma.local @!p0 [hbm:s6], $0xF7A  }
0x23: {  	s9 =	sor.u32 $0xD0000000, s2;
	s6 =	simm.s32 $0x108;
	_ =	swait.ge @!p0 [sflag:s8], $0x0  }
0x24: {  	s3 =	sadd.s32 $0x88, s3;
	s6 =	simm.s32 @!p1 $0x1082;
	[sflag:s4] =	ssyncset.s32 $0xFFFFF086  }
0x25: {  	[simem:s6], [sflag:s4] =	dma.local [hbm:s3], $0xF7A  }
0x26: {  	[smem:$0x3F9A] =	sst s1;
	(tag) =	ssettag s2;
	_ =	strace s9  }
0x27: {  	s1 =	sld [smem:$0x3FAA]  }
0x28: {  	s2 =	sld [smem:$0x3FAB]  }
0x29: {  	s4 =	sld [smem:$0x3FAD]  }
0x2a: {  	p0 =	seq.s32 s5, $0x0;
	s5 =	sld [smem:$0x3FAE]  }
0x2b: {  	s6 =	sld [smem:$0x3FAF]  }
0x2c: {  	s7 =	sld [smem:$0x3FB0]  }
0x2d: {  	s3 =	simm.s32 $0x108;
	s8 =	sld [smem:$0x3FB1]  }
0x2e: {  	s3 =	simm.s32 @!p0 $0x1082;
	s9 =	sld [smem:$0x3FB2]  }
0x2f: {  	lr =	sadd.s32 s0, s3;
	s0 =	sld [smem:$0x3FA9]  }
0x30: {  	s3 =	sld [smem:$0x3FAC]  }
0x31: {  	[smem:$0x3FB5] =	sst s10  }
0x32: {  	s10 =	sld [smem:$0x3FB3];
	_ =	sdelay $0x3  }
0x33: {  	p0 =	seq.s32 s10, $0x1;
	s10 =	sld [smem:$0x3FB5];
	_ =	sdelay $0x3  }
0x34: {  	[smem:$0x3FB5] =	sst s10  }
0x35: {  	s10 =	sld [smem:$0x3FB4];
	_ =	sdelay $0x3  }
0x36: {  	p1 =	seq.s32 s10, $0x1;
	s10 =	sld [smem:$0x3FB5];
	_ =	sdelay $0x3  }
0x37: {  	[smem:$0x3FB5] =	sst s10  }
0x38: {  	s10 =	sld [smem:$0x3FB6]  }
0x39: {  	_ = 	snop;
	(pc) =	sbr.ind lr, $3  }
0x3a: {  	_ = 	snop  }
0x3b: {  	_ = 	snop  }
0x3c: {  	p2 =	seq.s32 s10, $0x1;
	s10 =	sld [smem:$0x3FB5]  }
0x3d: {  	_ =	shalt  }
0x3e: {  	_ =	shalt  }
0x3f: {  	_ =	shalt  }
0x40: {  	_ =	shalt  }
0x41: {  	_ =	shalt  }
0x42: {  	_ =	shalt  }
0x43: {  	_ =	shalt  }
0x44: {  	_ =	shalt  }
0x45: {  	_ =	shalt  }
0x46: {  	_ =	shalt  }
0x47: {  	_ =	shalt  }
0x48: {  	_ =	shalt  }
0x49: {  	_ =	shalt  }
0x4a: {  	_ =	shalt  }
0x4b: {  	_ =	shalt  }
0x4c: {  	_ =	shalt  }
0x4d: {  	_ =	shalt  }
0x4e: {  	_ =	shalt  }
0x4f: {  	_ =	shalt  }
0x50: {  	_ =	shalt  }
0x51: {  	_ =	shalt  }
0x52: {  	_ =	shalt  }
0x53: {  	_ =	shalt  }
0x54: {  	_ =	shalt  }
0x55: {  	_ =	shalt  }
0x56: {  	_ =	shalt  }
0x57: {  	_ =	shalt  }
0x58: {  	_ =	shalt  }
0x59: {  	_ =	shalt  }
0x5a: {  	_ =	shalt  }
0x5b: {  	_ =	shalt  }
0x5c: {  	_ =	shalt  }
0x5d: {  	_ =	shalt  }
0x5e: {  	_ =	shalt  }
0x5f: {  	_ =	shalt  }
0x60: {  	_ =	shalt  }
0x61: {  	_ =	shalt  }
0x62: {  	_ =	shalt  }
0x63: {  	_ =	shalt  }
0x64: {  	_ =	shalt  }
0x65: {  	_ =	shalt  }
0x66: {  	_ =	shalt  }
0x67: {  	_ =	shalt  }
0x68: {  	_ =	shalt  }
0x69: {  	_ =	shalt  }
0x6a: {  	_ =	shalt  }
0x6b: {  	_ =	shalt  }
0x6c: {  	_ =	shalt  }
0x6d: {  	_ =	shalt  }
0x6e: {  	_ =	shalt  }
0x6f: {  	_ =	shalt  }
0x70: {  	_ =	shalt  }
0x71: {  	_ =	shalt  }
0x72: {  	_ =	shalt  }
0x73: {  	_ =	shalt  }
0x74: {  	_ =	shalt  }
0x75: {  	_ =	shalt  }
0x76: {  	_ =	shalt  }
0x77: {  	_ =	shalt  }
0x78: {  	_ =	shalt  }
0x79: {  	_ =	shalt  }
0x7a: {  	_ =	shalt  }
0x7b: {  	_ =	shalt  }
0x7c: {  	_ =	shalt  }
0x7d: {  	_ =	shalt  }
0x7e: {  	_ =	shalt  }
0x7f: {  	_ =	shalt  }
0x80: {  	_ =	shalt  }
0x81: {  	_ =	shalt  }
0x82: {  	_ =	shalt  }
0x83: {  	_ =	shalt  }
0x84: {  	_ =	shalt  }
0x85: {  	_ =	shalt  }
0x86: {  	_ =	shalt  }
0x87: {  	_ =	shalt  }
.Lfunc_end0:
.L_simem_size_0:
called_computation_lowered:
.L_overlay_start_0:
0x88: {  	s2 =	sld [smem:$0x3FD9]  }
0x89: {  	s3 =	sld [smem:$0x3FFE];
	_ =	sdelay $0x1  }
0x8a: {  	s1 =	srdreg.scid  }
0x8b: {  	s0 =	sand.u32 $0x1, s1  }
0x8c: {  	s30 =	sshll.u32 s0, $0xA;
	s2 =	sadd.s32 s3, s2  }
0x8d: {  	s2 =	sadd.s32 s2, s30  }
0x8e: {  	[smem:$0x3FC1] =	sst s2  }
0x8f: {  	_ = 	snop  }
0x90: {  	s2 =	sld [smem:$0x3FD0]  }
0x91: {  	s31 =	sld [smem:$0x3FC9]  }
0x92: {  	s4 =	sld [smem:$0x3FC8]  }
0x93: {  	s6 =	simm.s32 $0xA;
	s7 =	simm.s32 $0x10;
	s5 =	sld [smem:$0x3FC7]  }
0x94: {  	[smem:s7], [sflag:s6] =	dma.local [hbm:s2], $0x1  }
0x95: {  	_ =	swait.eq [sflag:s6], $0x1  }
0x96: {  	s16 =	sld [smem:$0x10]  }
0x97: {  	s17 =	sld [smem:$0x11]  }
0x98: {  	s8 =	sld [smem:$0x12]  }
0x99: {  	s9 =	sld [smem:$0x13];
	[sflag:s6] =	ssyncset.done $0x0  }
0x9a: {  	s10 =	sld [smem:$0x14];
	[sflag:s6] =	ssyncadd.s32 $0xFFFFFFFF  }
0x9b: {  	s18 =	sld [smem:$0x15];
	(tm) =	ssettm $0x1  }
0x9c: {  	s11 =	sld [smem:$0x3FFB];
	_ =	sdelay $0x3  }
0x9d: {  	_ =	strace s11  }
0x9e: {  	s11 =	sld [smem:$0x3FFC];
	_ =	sdelay $0x3  }
0x9f: {  	_ =	strace s11  }
0xa0: {  	s11 =	sld [smem:$0x3FFD];
	_ =	sdelay $0x3  }
0xa1: {  	_ =	strace s11  }
0xa2: {  	_ =	strace $0x8FFFFFFF  }
0xa3: {  	s19 =	sld [smem:$0x3FDB];
	_ =	sdelay $0x1  }
0xa4: {  	s12 =	simm.s32 $_scs_section_size  }
0xa5: {  	s13 =	simm.s32 $_size__tile_overlayer_lowered;
	s14 =	simm.s32 $_tile_overlayer_lowered  }
0xa6: {  	s22 =	simm.s32 $0x1BFF;
	s21 =	sshll.u32 s14, $0x1;
	s11 =	sadd.s32 s12, s19  }
0xa7: {  	s15 =	simm.s32 $0x0;
	s20 =	sshll.u32 s13, $0x1;
	s13 =	sadd.s32 s21, s11  }
0xa8: {  	[timem:s15], [sflag:s22] =	dma.local [hbm:s13], s20  }
0xa9: {  	_ =	swait.ge [sflag:s22], s20  }
0xaa: {  	s12 =	ssub.s32 $0x0, s20;
	[sflag:s22] =	ssyncset.done $0x0  }
0xab: {  	[sflag:s22] =	ssyncadd.s32 s12;
	_ =	sdelay $0x1  }
0xac: {  	s23 =	simm.s32 $0x1B8B  }
0xad: {  	_ =	swait.ge [sflag:s23], $0x1  }
0xae: {  	[sflag:s23] =	ssyncset.done $0x0  }
0xaf: {  	s25 =	simm.s32 $0x1B8E;
	s24 =	sld [smem:$0x3FFE];
	[sflag:s23] =	ssyncadd.s32 $0xFFFFFFFF  }
0xb0: {  	s26 =	simm.s32 $execute0_lowered;
	[smem:$0x3FD2] =	sst s25  }
0xb1: {  	s13 =	sshll.u32 s26, $0x1;
	_ =	strace $0x80000046;
	[dreg:$0x1] =	wrdreg $0xFFFFFFFF  }
0xb2: {  	s28 =	simm.s32 $_size_execute0_lowered;
	s11 =	sadd.s32 s11, s13;
	[dreg:$0x0] =	wrdreg $0x0  }
0xb3: {  	s13 =	sshll.u32 s28, $0x1;
	[dreg:$0x2] =	wrdreg s11  }
0xb4: {  	[dreg:$0x3] =	wrdreg s13  }
0xb5: {  	[dreg:$0x4] =	wrdreg $0xC0  }
0xb6: {  	_ =	task [dreg:s15], $0x5FFFF  }
0xb7: {  	[dreg:$0x1] =	wrdreg $0xFFFFFFFF  }
0xb8: {  	[dreg:$0x0] =	wrdreg $0x60  }
0xb9: {  	[dreg:$0x2] =	wrdreg s31  }
0xba: {  	[dreg:$0x3] =	wrdreg s4  }
0xbb: {  	[dreg:$0x4] =	wrdreg s5  }
0xbc: {  	[dreg:$0x5] =	wrdreg s24  }
0xbd: {  	[dreg:$0x6] =	wrdreg s16  }
0xbe: {  	[dreg:$0x7] =	wrdreg s8  }
0xbf: {  	[dreg:$0x8] =	wrdreg s17  }
0xc0: {  	[dreg:$0x9] =	wrdreg s9  }
0xc1: {  	[dreg:$0xa] =	wrdreg s10  }
0xc2: {  	[dreg:$0xb] =	wrdreg s18  }
0xc3: {  	[dreg:$0xc] =	wrdreg $0x9  }
0xc4: {  	_ =	task.clear_ibuf [dreg:s15], $0xDFFFF;
	_ =	strace $0x90000046  }
0xc5: {  	s29 =	simm.s32 $0x9;
	_ =	strace $0x80000048  }
0xc6: {  	_ =	swait.ge [sflag:s29], $0x1  }
0xc7: {  	[sflag:s29] =	ssyncadd.s32 $0xFFFFFFFF  }
0xc8: {  	_ =	strace $0x90000048  }
0xc9: {  	_ =	sfence  }
0xca: {  	s30 =	sld [smem:$0x0];
	_ =	sdelay $0x2  }
0xcb: {  	s31 =	sshll.u32 s1, $0xD;
	s1 =	sshrl.u32 s1, $0x2  }
0xcc: {  	s3 =	sand.u32 $0x4000, s31;
	s1 =	sadd.s32 s1, s30  }
0xcd: {  	s0 =	sor.u32 s3, s0;
	s1 =	sshll.u32 s1, $0x11  }
0xce: {  	s0 =	sor.u32 s1, s0  }
0xcf: {  	s0 =	sadd.s32 $0x8F2B, s0  }
0xd0: {  	[sflag:s0] =	ssyncadd.remote.s32 $0x1  }
0xd1: {  	_ =	sfence.sel $0xFFFF  }
0xd2: {  	[dreg:$0x0] =	wrdreg $0xFFFFFFFF;
	(pc) =	sbr.abs _section_cstart, $3  }
0xd3: {  	[dreg:$0x1] =	wrdreg $0xFFFFFFFF  }
0xd4: {  	_ =	task.clear_ibuf [dreg:s15], $0x2FFFF;
	_ =	strace $0x9FFFFFFF  }
0xd5: {  	(tm) =	ssettm $0x7FFFFFFF  }
tec
execute0_lowered:
.L_overlay_start_1:
0x0: {  	(tag) =	ssettag $0x1  }
0x1: {  	s0 =	rddreg [dreg:$0x0]  }
0x2: {  	s2 =	rddreg [dreg:$0x1]  }
0x3: {  	s7 =	rddreg [dreg:$0x2]  }
0x4: {  	s8 =	rddreg [dreg:$0x3]  }
0x5: {  	s1 =	rddreg [dreg:$0x4]  }
0x6: {  	s9 =	rddreg [dreg:$0x5]  }
0x7: {  	s10 =	rddreg [dreg:$0x6]  }
0x8: {  	s11 =	rddreg [dreg:$0x7]  }
0x9: {  	s12 =	rddreg [dreg:$0x8]  }
0xa: {  	s15 =	rddreg [dreg:$0x9]  }
0xb: {  	s3 =	simm.s32 $0x0;
	s5 =	srdreg.scid;
	s13 =	stileid.u32  }
0xc: {  	s19 =	simm.s32 $0x400;
	s29 =	simm.s32 $0x280;
	s31 =	simm.s32 $0x480  }
0xd: {  	s28 =	simm.s32 $0x300;
	s30 =	simm.s32 $0x180;
	[smem:$0x7FF] =	sst s3  }
0xe: {  	s4 =	sadd.s32 $0xF43A00, s8;
	s6 =	sand.u32 $0x1, s5;
	s13 =	sshll.u32 s13, $0x1  }
0xf: {  	s5 =	sadd.s32 $0x16E4E00, s8;
	_ =	strace $0x80000047;
	s13 =	sor.u32 s6, s13  }
0x10: {  	s14 =	ssub.s32 $0x2, s6;
	s6 =	sadd.s32 $0x1400, s8;
	s16 =	sshll.u32 s13, $0xC  }
0x11: {  	s17 =	sshrl.u32 s14, $0x1;
	s18 =	sshll.u32 s13, $0x6;
	s13 =	simm.s32 $0x600  }
0x12: {  	s8 =	sadd.s32 s16, s8;
	s17 =	ssub.s32 s14, s17;
	s0 =	sadd.s32 s0, s18  }
0x13: {  	v0 =	vimm.s32 $0xFEDCBA98;
	s20 =	sadd.s32 s2, s18;
	s21 =	sadd.s32 s7, s18;
	[dreg:$0xb] =	wrdreg s0  }
0x14: {  	v1 =	vimm.s32 $0x76543210;
	v2 =	vimm.s32 $0xBA98FEDC;
	v3 =	vimm.s32 $0x32107654;
	s22 =	sadd.s32 s9, s16;
	s23 =	sadd.s32 s10, s16;
	[dreg:$0xc] =	wrdreg s20  }
0x15: {  	v4 =	vimm.s32 $0xDCFE98BA;
	v5 =	vimm.s32 $0x54761032;
	v6 =	vimm.s32 $0xEFCDAB89;
	s25 =	sadd.s32 s11, s18;
	s26 =	sadd.s32 s12, s18;
	[dreg:$0xd] =	wrdreg s21  }
0x16: {  	v7 =	vimm.s32 $0x67452301;
	v0 =	vunpack.c.l.s4.s8 v0;
	v1 =	vunpack.c.l.s4.s8 v1;
	s15 =	sadd.s32 s15, s18;
	s18 =	simm.s32 $0x200;
	[dreg:$0xe] =	wrdreg s22  }
0x17: {  	v2 =	vunpack.c.l.s4.s8 v2;
	v3 =	vunpack.c.l.s4.s8 v3;
	v4 =	vunpack.c.l.s4.s8 v4;
	s2 =	simm.s32 $0x500;
	s7 =	simm.s32 $0x380;
	[dreg:$0xf] =	wrdreg s23  }
0x18: {  	v5 =	vunpack.c.l.s4.s8 v5;
	v6 =	vunpack.c.l.s4.s8 v6;
	v7 =	vunpack.c.l.s4.s8 v7;
	s9 =	simm.s32 $0x1;
	s10 =	simm.s32 $0x2;
	[dreg:$0x11] =	wrdreg s25  }
0x19: {  	v0 =	vunpack.c.0.s8.s32 v0;
	v1 =	vunpack.c.0.s8.s32 v1;
	v2 =	vunpack.c.0.s8.s32 v2;
	s11 =	simm.s32 $0x4;
	s24 =	sadd.s32 $0x1FE00, s8;
	[dreg:$0x12] =	wrdreg s26  }
0x1a: {  	v3 =	vunpack.c.0.s8.s32 v3;
	v4 =	vunpack.c.0.s8.s32 v4;
	v5 =	vunpack.c.0.s8.s32 v5;
	s16 =	smax.u32 s17, $0x1;
	s17 =	simm.s32 $0x5;
	s20 =	simm.s32 $0x80  }
0x1b: {  	v6 =	vunpack.c.0.s8.s32 v6;
	v7 =	vunpack.c.0.s8.s32 v7;
	s23 =	simm.s32 $0x8600;
	s25 =	simm.s32 $0x18800;
	s26 =	simm.s32 $0x18A00;
	v0 =	vand.u32 $0xF, v0  }
0x1c: {  	s0 =	simm.s32 $0x100;
	s8 =	simm.s32 $0x580;
	s21 =	simm.s32 $0x3;
	v0 =	vcombine.low v0, v1;
	v1 =	vcombine.low v3, v2  }
0x1d: {  	s22 =	simm.s32 $0x0;
	[dreg:$0x10] =	wrdreg s24;
	s24 =	simm.s32 $0x10600;
	v2 =	vcombine.low v5, v4;
	v3 =	vcombine.low v7, v6  }
.LBB2_1:
0x1e: {  	s12 =	rddreg [dreg:$0xb]  }
0x1f: {  	[tilespmem:s3], [sflag:$0x5] =	stream.linear.gather [hbm4b:s12+s3], $0x200, $0x38;
	[tilespmem:$0x18C00] =	vst v63  }
0x20: {  	_ =	swait.ge [sflag:s17], $0x200  }
0x21: {  	[sflag:s17] =	ssyncset.done $0x0  }
0x22: {  	s12 =	rddreg [dreg:$0xc];
	[sflag:s17] =	ssyncadd.s32 $0xFFFFFE00  }
0x23: {  	[tilespmem:s18], [sflag:$0x5] =	stream.linear.gather [hbm4b:s12+s3], $0x200, $0x38;
	[tilespmem:$0x18C00] =	vst v63  }
0x24: {  	_ =	swait.ge [sflag:s17], $0x200  }
0x25: {  	[sflag:s17] =	ssyncset.done $0x0  }
0x26: {  	s12 =	rddreg [dreg:$0xd];
	[sflag:s17] =	ssyncadd.s32 $0xFFFFFE00  }
0x27: {  	[tilespmem:s19], [sflag:$0x5] =	stream.linear.gather [hbm4b:s12+s3], $0x200, $0x38;
	[tilespmem:$0x18C00] =	vst v63  }
0x28: {  	_ =	swait.ge [sflag:s17], $0x200  }
0x29: {  	[sflag:s17] =	ssyncset.done $0x0  }
0x2a: {  	[sflag:s17] =	ssyncadd.s32 $0xFFFFFE00  }
0x2b: {  	[tilespmem:s13], [sflag:$0x1] =	stream.indirect.gather [hbm4b:s4+s20], $0x40, s3, s20, $0xb8;
	[tilespmem:$0x18C00] =	vst v63  }
0x2c: {  	_ = 	snop  }
0x2d: {  	[tilespmem:s23], [sflag:$0x2] =	stream.indirect.gather [hbm4b:s5+s20], $0x40, s18, s20, $0xb8;
	[tilespmem:$0x18C00] =	vst v63  }
0x2e: {  	_ = 	snop  }
0x2f: {  	[tilespmem:s24], [sflag:$0x3] =	stream.indirect.gather [hbm4b:s5+s20], $0x40, s19, s20, $0xb8;
	[tilespmem:$0x18C00] =	vst v63  }
0x30: {  	s14 =	simm.s32 $0x18600  }
0x31: {  	[tilespmem:s14], [sflag:$0x4] =	stream.indirect.gather [hbm4b:s1+s20], $0x1, s3, s20, $0xb8;
	[tilespmem:$0x18C00] =	vst v63  }
0x32: {  	_ = 	snop  }
0x33: {  	[tilespmem:s25], [sflag:$0x4] =	stream.indirect.gather [hbm4b:s6+s20], $0x1, s18, s20, $0xb8;
	[tilespmem:$0x18C00] =	vst v63  }
0x34: {  	_ = 	snop  }
0x35: {  	[tilespmem:s26], [sflag:$0x4] =	stream.indirect.gather [hbm4b:s6+s20], $0x1, s19, s20, $0xb8;
	[tilespmem:$0x18C00] =	vst v63  }
0x36: {  	s23 =	simm.s32 $0x2600  }
0x37: {  	[tilespmem:s23], [sflag:$0x1] =	stream.indirect.gather [hbm4b:s4+s20], $0x40, s20, s20, $0xb8;
	[tilespmem:$0x18C00] =	vst v63  }
0x38: {  	s24 =	simm.s32 $0xA600  }
0x39: {  	[tilespmem:s24], [sflag:$0x2] =	stream.indirect.gather [hbm4b:s5+s20], $0x40, s29, s20, $0xb8;
	[tilespmem:$0x18C00] =	vst v63  }
0x3a: {  	s13 =	simm.s32 $0x12600  }
0x3b: {  	[tilespmem:s13], [sflag:$0x3] =	stream.indirect.gather [hbm4b:s5+s20], $0x40, s31, s20, $0xb8;
	[tilespmem:$0x18C00] =	vst v63  }
0x3c: {  	s14 =	simm.s32 $0x18680  }
0x3d: {  	[tilespmem:s14], [sflag:$0x4] =	stream.indirect.gather [hbm4b:s1+s20], $0x1, s20, s20, $0xb8;
	[tilespmem:$0x18C00] =	vst v63  }
0x3e: {  	s23 =	simm.s32 $0x18880  }
0x3f: {  	[tilespmem:s23], [sflag:$0x4] =	stream.indirect.gather [hbm4b:s6+s20], $0x1, s29, s20, $0xb8;
	[tilespmem:$0x18C00] =	vst v63  }
0x40: {  	s24 =	simm.s32 $0x18A80  }
0x41: {  	[tilespmem:s24], [sflag:$0x4] =	stream.indirect.gather [hbm4b:s6+s20], $0x1, s31, s20, $0xb8;
	[tilespmem:$0x18C00] =	vst v63  }
0x42: {  	s13 =	simm.s32 $0x4600  }
0x43: {  	[tilespmem:s13], [sflag:$0x1] =	stream.indirect.gather [hbm4b:s4+s20], $0x40, s0, s20, $0xb8;
	[tilespmem:$0x18C00] =	vst v63  }
0x44: {  	s14 =	simm.s32 $0xC600  }
0x45: {  	[tilespmem:s14], [sflag:$0x2] =	stream.indirect.gather [hbm4b:s5+s20], $0x40, s28, s20, $0xb8;
	[tilespmem:$0x18C00] =	vst v63  }
0x46: {  	s23 =	simm.s32 $0x14600  }
0x47: {  	[tilespmem:s23], [sflag:$0x3] =	stream.indirect.gather [hbm4b:s5+s20], $0x40, s2, s20, $0xb8;
	[tilespmem:$0x18C00] =	vst v63  }
0x48: {  	s24 =	simm.s32 $0x18700  }
0x49: {  	[tilespmem:s24], [sflag:$0x4] =	stream.indirect.gather [hbm4b:s1+s20], $0x1, s0, s20, $0xb8;
	[tilespmem:$0x18C00] =	vst v63  }
0x4a: {  	s13 =	simm.s32 $0x18900  }
0x4b: {  	[tilespmem:s13], [sflag:$0x4] =	stream.indirect.gather [hbm4b:s6+s20], $0x1, s28, s20, $0xb8;
	[tilespmem:$0x18C00] =	vst v63  }
0x4c: {  	s14 =	simm.s32 $0x18B00  }
0x4d: {  	[tilespmem:s14], [sflag:$0x4] =	stream.indirect.gather [hbm4b:s6+s20], $0x1, s2, s20, $0xb8;
	[tilespmem:$0x18C00] =	vst v63  }
0x4e: {  	s23 =	simm.s32 $0x6600  }
0x4f: {  	[tilespmem:s23], [sflag:$0x1] =	stream.indirect.gather [hbm4b:s4+s20], $0x40, s30, s20, $0xb8;
	[tilespmem:$0x18C00] =	vst v63  }
0x50: {  	s24 =	simm.s32 $0xE600  }
0x51: {  	[tilespmem:s24], [sflag:$0x2] =	stream.indirect.gather [hbm4b:s5+s20], $0x40, s7, s20, $0xb8;
	[tilespmem:$0x18C00] =	vst v63  }
0x52: {  	s13 =	simm.s32 $0x16600  }
0x53: {  	[tilespmem:s13], [sflag:$0x3] =	stream.indirect.gather [hbm4b:s5+s20], $0x40, s8, s20, $0xb8;
	[tilespmem:$0x18C00] =	vst v63  }
0x54: {  	s14 =	simm.s32 $0x18780  }
0x55: {  	[tilespmem:s14], [sflag:$0x4] =	stream.indirect.gather [hbm4b:s1+s20], $0x1, s30, s20, $0xb8;
	[tilespmem:$0x18C00] =	vst v63  }
0x56: {  	s23 =	simm.s32 $0x18980  }
0x57: {  	[tilespmem:s23], [sflag:$0x4] =	stream.indirect.gather [hbm4b:s6+s20], $0x1, s7, s20, $0xb8;
	[tilespmem:$0x18C00] =	vst v63  }
0x58: {  	s24 =	simm.s32 $0x18B80  }
0x59: {  	[tilespmem:s24], [sflag:$0x4] =	stream.indirect.gather [hbm4b:s6+s20], $0x1, s8, s20, $0xb8;
	[tilespmem:$0x18C00] =	vst v63  }
0x5a: {  	_ =	swait.ge [sflag:s9], $0x2000  }
0x5b: {  	[sflag:s9] =	ssyncset.done $0x0  }
0x5c: {  	[sflag:s9] =	ssyncadd.s32 $0xFFFFE000  }
0x5d: {  	_ =	swait.ge [sflag:s9], $0x2000  }
0x5e: {  	[sflag:s9] =	ssyncset.done $0x0  }
0x5f: {  	[sflag:s9] =	ssyncadd.s32 $0xFFFFE000  }
0x60: {  	_ =	swait.ge [sflag:s9], $0x2000  }
0x61: {  	[sflag:s9] =	ssyncset.done $0x0  }
0x62: {  	[sflag:s9] =	ssyncadd.s32 $0xFFFFE000  }
0x63: {  	_ =	swait.ge [sflag:s9], $0x2000  }
0x64: {  	[sflag:s9] =	ssyncset.done $0x0  }
0x65: {  	s12 =	simm.s32 $0x0;
	[sflag:s9] =	ssyncadd.s32 $0xFFFFE000  }
0x66: {  	v4 =	vld [tilespmem:s12+$0x600]  }
0x67: {  	v5 =	vld [tilespmem:s12+$0x610];
	_ =	sdelay $0x1  }
0x68: {  	v6 =	vld [tilespmem:s12+$0x620];
	_ =	sdelay $0x1  }
0x69: {  	v7 =	vld [tilespmem:s12+$0x630]  }
0x6a: {  	v8 =	vmul.f32 v4, v4;
	v9 =	vmul.f32 v5, v5;
	_ =	sdelay $0x1  }
0x6b: {  	v8 =	vadd.f32 v9, v8;
	v9 =	vmul.f32 v6, v6;
	_ =	sdelay $0x1  }
0x6c: {  	v8 =	vadd.f32 v9, v8;
	v9 =	vmul.f32 v7, v7;
	_ =	sdelay $0x1  }
0x6d: {  	v8 =	vadd.f32 v9, v8;
	_ =	sdelay $0x1  }
0x6e: {  	v9 =	vperm.xlane v8, v0;
	_ =	sdelay $0x1  }
0x6f: {  	v8 =	vadd.f32 v8, v9;
	_ =	sdelay $0x1  }
0x70: {  	v9 =	vperm.xlane v8, v1;
	_ =	sdelay $0x1  }
0x71: {  	v8 =	vadd.f32 v8, v9;
	_ =	sdelay $0x1  }
0x72: {  	v9 =	vperm.xlane v8, v2;
	_ =	sdelay $0x1  }
0x73: {  	v8 =	vadd.f32 v8, v9;
	_ =	sdelay $0x1  }
0x74: {  	v9 =	vperm.xlane v8, v3;
	_ =	sdelay $0x1  }
0x75: {  	v8 =	vadd.f32 v8, v9;
	_ =	sdelay $0x1  }
0x76: {  	v9 =	vshra.s32 v8, $0x1;
	v10 =	vmul.f32 $-5.000000000e-01, v8  }
0x77: {  	v8 =	vsub.s32 $0x5F3759DF, v9  }
0x78: {  	v9 =	vmul.f32 v8, v10;
	_ =	sdelay $0x1  }
0x79: {  	v9 =	vmul.f32 v8, v9;
	_ =	sdelay $0x1  }
0x7a: {  	v9 =	vadd.f32 $1.500000000e+00, v9;
	_ =	sdelay $0x1  }
0x7b: {  	v8 =	vmul.f32 v8, v9;
	_ =	sdelay $0x1  }
0x7c: {  	v9 =	vmul.f32 v8, v10;
	_ =	sdelay $0x1  }
0x7d: {  	v9 =	vmul.f32 v9, v8;
	_ =	sdelay $0x1  }
0x7e: {  	v9 =	vadd.f32 $1.500000000e+00, v9;
	_ =	sdelay $0x1  }
0x7f: {  	v8 =	vmul.f32 v9, v8;
	_ =	sdelay $0x1  }
0x80: {  	v9 =	vmul.f32 v8, v10;
	_ =	sdelay $0x1  }
0x81: {  	s23 =	simm.s32 $0x100;
	v9 =	vmul.f32 v9, v8  }
.LBB2_2:
0x82: {  	_ = 	snop  }
0x83: {  	p0 =	sne.s32 s23, $0x1FF00;
	s13 =	smov.u32 s23;
	s23 =	sadd.s32 $0x100, s23;
	v9 =	vadd.f32 $1.500000000e+00, v9  }
0x84: {  	s13 =	sshra.s32 s13, $0x2  }
0x85: {  	v8 =	vmul.f32 v9, v8;
	_ =	sdelay $0x1  }
0x86: {  	v4 =	vmul.f32 v8, v4;
	v5 =	vmul.f32 v8, v5  }
0x87: {  	v6 =	vmul.f32 v8, v6;
	v7 =	vmul.f32 v8, v7  }
0x88: {  	[tilespmem:s12+$0x600] =	vst v4  }
0x89: {  	v4 =	vld [tilespmem:s13+$0x600];
	[tilespmem:s12+$0x610] =	vst v5  }
0x8a: {  	v5 =	vld [tilespmem:s13+$0x610];
	[tilespmem:s12+$0x630] =	vst v7  }
0x8b: {  	[tilespmem:s12+$0x620] =	vst v6;
	s12 =	smov.u32 s13  }
0x8c: {  	v6 =	vld [tilespmem:s12+$0x620];
	_ =	sdelay $0x1  }
0x8d: {  	v7 =	vld [tilespmem:s12+$0x630]  }
0x8e: {  	v8 =	vmul.f32 v4, v4;
	v9 =	vmul.f32 v5, v5;
	_ =	sdelay $0x1  }
0x8f: {  	v8 =	vadd.f32 v9, v8;
	v9 =	vmul.f32 v6, v6;
	_ =	sdelay $0x1  }
0x90: {  	v8 =	vadd.f32 v9, v8;
	v9 =	vmul.f32 v7, v7;
	_ =	sdelay $0x1  }
0x91: {  	v8 =	vadd.f32 v9, v8;
	_ =	sdelay $0x1  }
0x92: {  	v9 =	vperm.xlane v8, v0;
	_ =	sdelay $0x1  }
0x93: {  	v8 =	vadd.f32 v8, v9;
	_ =	sdelay $0x1  }
0x94: {  	v9 =	vperm.xlane v8, v1;
	_ =	sdelay $0x1  }
0x95: {  	v8 =	vadd.f32 v8, v9;
	_ =	sdelay $0x1  }
0x96: {  	v9 =	vperm.xlane v8, v2;
	_ =	sdelay $0x1  }
0x97: {  	v8 =	vadd.f32 v8, v9;
	_ =	sdelay $0x1  }
0x98: {  	v9 =	vperm.xlane v8, v3;
	_ =	sdelay $0x1  }
0x99: {  	v8 =	vadd.f32 v8, v9;
	_ =	sdelay $0x1  }
0x9a: {  	v9 =	vshra.s32 v8, $0x1;
	v10 =	vmul.f32 $-5.000000000e-01, v8  }
0x9b: {  	v8 =	vsub.s32 $0x5F3759DF, v9  }
0x9c: {  	v9 =	vmul.f32 v8, v10;
	_ =	sdelay $0x1  }
0x9d: {  	v9 =	vmul.f32 v8, v9;
	_ =	sdelay $0x1  }
0x9e: {  	v9 =	vadd.f32 $1.500000000e+00, v9;
	_ =	sdelay $0x1  }
0x9f: {  	v8 =	vmul.f32 v8, v9;
	_ =	sdelay $0x1  }
0xa0: {  	v9 =	vmul.f32 v8, v10;
	_ =	sdelay $0x1  }
0xa1: {  	v9 =	vmul.f32 v9, v8;
	_ =	sdelay $0x1  }
0xa2: {  	v9 =	vadd.f32 $1.500000000e+00, v9;
	_ =	sdelay $0x1  }
.Ltmp0:
0xa3: {  	v8 =	vmul.f32 v9, v8;
	(pc) =	sbr.rel @p0 .LBB2_2-.Ltmp0, $3  }
0xa4: {  	_ = 	snop  }
0xa5: {  	v9 =	vmul.f32 v8, v10;
	_ =	sdelay $0x1  }
0xa6: {  	v9 =	vmul.f32 v9, v8  }
0xa7: {  	_ = 	snop  }
0xa8: {  	v9 =	vadd.f32 $1.500000000e+00, v9;
	_ =	sdelay $0x1  }
0xa9: {  	v8 =	vmul.f32 v9, v8;
	_ =	sdelay $0x1  }
0xaa: {  	v4 =	vmul.f32 v8, v4  }
0xab: {  	v5 =	vmul.f32 v8, v5  }
0xac: {  	v7 =	vmul.f32 v8, v7;
	[tilespmem:s12+$0x600] =	vst v4  }
0xad: {  	v4 =	vmul.f32 v8, v6;
	[tilespmem:s12+$0x610] =	vst v5  }
0xae: {  	[tilespmem:s12+$0x630] =	vst v7  }
0xaf: {  	[tilespmem:s12+$0x620] =	vst v4  }
0xb0: {  	_ =	swait.ge [sflag:s10], $0x2000  }
0xb1: {  	[sflag:s10] =	ssyncset.done $0x0  }
0xb2: {  	[sflag:s10] =	ssyncadd.s32 $0xFFFFE000  }
0xb3: {  	_ =	swait.ge [sflag:s10], $0x2000  }
0xb4: {  	[sflag:s10] =	ssyncset.done $0x0  }
0xb5: {  	[sflag:s10] =	ssyncadd.s32 $0xFFFFE000  }
0xb6: {  	_ =	swait.ge [sflag:s10], $0x2000  }
0xb7: {  	[sflag:s10] =	ssyncset.done $0x0  }
0xb8: {  	[sflag:s10] =	ssyncadd.s32 $0xFFFFE000  }
0xb9: {  	_ =	swait.ge [sflag:s10], $0x2000  }
0xba: {  	[sflag:s10] =	ssyncset.done $0x0  }
0xbb: {  	s12 =	simm.s32 $0x0;
	[sflag:s10] =	ssyncadd.s32 $0xFFFFE000  }
0xbc: {  	v4 =	vld [tilespmem:s12+$0x8600]  }
0xbd: {  	v5 =	vld [tilespmem:s12+$0x8610];
	_ =	sdelay $0x1  }
0xbe: {  	v6 =	vld [tilespmem:s12+$0x8620];
	_ =	sdelay $0x1  }
0xbf: {  	v7 =	vld [tilespmem:s12+$0x8630]  }
0xc0: {  	v8 =	vmul.f32 v4, v4;
	v9 =	vmul.f32 v5, v5;
	_ =	sdelay $0x1  }
0xc1: {  	v8 =	vadd.f32 v9, v8;
	v9 =	vmul.f32 v6, v6;
	_ =	sdelay $0x1  }
0xc2: {  	v8 =	vadd.f32 v9, v8;
	v9 =	vmul.f32 v7, v7;
	_ =	sdelay $0x1  }
0xc3: {  	v8 =	vadd.f32 v9, v8;
	_ =	sdelay $0x1  }
0xc4: {  	v9 =	vperm.xlane v8, v0;
	_ =	sdelay $0x1  }
0xc5: {  	v8 =	vadd.f32 v8, v9;
	_ =	sdelay $0x1  }
0xc6: {  	v9 =	vperm.xlane v8, v1;
	_ =	sdelay $0x1  }
0xc7: {  	v8 =	vadd.f32 v8, v9;
	_ =	sdelay $0x1  }
0xc8: {  	v9 =	vperm.xlane v8, v2;
	_ =	sdelay $0x1  }
0xc9: {  	v8 =	vadd.f32 v8, v9;
	_ =	sdelay $0x1  }
0xca: {  	v9 =	vperm.xlane v8, v3;
	_ =	sdelay $0x1  }
0xcb: {  	v8 =	vadd.f32 v8, v9;
	_ =	sdelay $0x1  }
0xcc: {  	v9 =	vshra.s32 v8, $0x1;
	v10 =	vmul.f32 $-5.000000000e-01, v8  }
0xcd: {  	v8 =	vsub.s32 $0x5F3759DF, v9  }
0xce: {  	v9 =	vmul.f32 v8, v10;
	_ =	sdelay $0x1  }
0xcf: {  	v9 =	vmul.f32 v8, v9;
	_ =	sdelay $0x1  }
0xd0: {  	v9 =	vadd.f32 $1.500000000e+00, v9;
	_ =	sdelay $0x1  }
0xd1: {  	v8 =	vmul.f32 v8, v9;
	_ =	sdelay $0x1  }
0xd2: {  	v9 =	vmul.f32 v8, v10;
	_ =	sdelay $0x1  }
0xd3: {  	v9 =	vmul.f32 v9, v8;
	_ =	sdelay $0x1  }
0xd4: {  	v9 =	vadd.f32 $1.500000000e+00, v9;
	_ =	sdelay $0x1  }
0xd5: {  	v8 =	vmul.f32 v9, v8;
	_ =	sdelay $0x1  }
0xd6: {  	v9 =	vmul.f32 v8, v10;
	_ =	sdelay $0x1  }
0xd7: {  	s23 =	simm.s32 $0x100;
	v9 =	vmul.f32 v9, v8  }
.LBB2_4:
0xd8: {  	_ = 	snop  }
0xd9: {  	p0 =	sne.s32 s23, $0x1FF00;
	s13 =	smov.u32 s23;
	s23 =	sadd.s32 $0x100, s23;
	v9 =	vadd.f32 $1.500000000e+00, v9  }
0xda: {  	s13 =	sshra.s32 s13, $0x2  }
0xdb: {  	v8 =	vmul.f32 v9, v8;
	_ =	sdelay $0x1  }
0xdc: {  	v4 =	vmul.f32 v8, v4;
	v5 =	vmul.f32 v8, v5  }
0xdd: {  	v6 =	vmul.f32 v8, v6;
	v7 =	vmul.f32 v8, v7  }
0xde: {  	[tilespmem:s12+$0x8600] =	vst v4  }
0xdf: {  	v4 =	vld [tilespmem:s13+$0x8600];
	[tilespmem:s12+$0x8610] =	vst v5  }
0xe0: {  	v5 =	vld [tilespmem:s13+$0x8610];
	[tilespmem:s12+$0x8630] =	vst v7  }
0xe1: {  	[tilespmem:s12+$0x8620] =	vst v6;
	s12 =	smov.u32 s13  }
0xe2: {  	v6 =	vld [tilespmem:s12+$0x8620];
	_ =	sdelay $0x1  }
0xe3: {  	v7 =	vld [tilespmem:s12+$0x8630]  }
0xe4: {  	v8 =	vmul.f32 v4, v4;
	v9 =	vmul.f32 v5, v5;
	_ =	sdelay $0x1  }
0xe5: {  	v8 =	vadd.f32 v9, v8;
	v9 =	vmul.f32 v6, v6;
	_ =	sdelay $0x1  }
0xe6: {  	v8 =	vadd.f32 v9, v8;
	v9 =	vmul.f32 v7, v7;
	_ =	sdelay $0x1  }
0xe7: {  	v8 =	vadd.f32 v9, v8;
	_ =	sdelay $0x1  }
0xe8: {  	v9 =	vperm.xlane v8, v0;
	_ =	sdelay $0x1  }
0xe9: {  	v8 =	vadd.f32 v8, v9;
	_ =	sdelay $0x1  }
0xea: {  	v9 =	vperm.xlane v8, v1;
	_ =	sdelay $0x1  }
0xeb: {  	v8 =	vadd.f32 v8, v9;
	_ =	sdelay $0x1  }
0xec: {  	v9 =	vperm.xlane v8, v2;
	_ =	sdelay $0x1  }
0xed: {  	v8 =	vadd.f32 v8, v9;
	_ =	sdelay $0x1  }
0xee: {  	v9 =	vperm.xlane v8, v3;
	_ =	sdelay $0x1  }
0xef: {  	v8 =	vadd.f32 v8, v9;
	_ =	sdelay $0x1  }
0xf0: {  	v9 =	vshra.s32 v8, $0x1;
	v10 =	vmul.f32 $-5.000000000e-01, v8  }
0xf1: {  	v8 =	vsub.s32 $0x5F3759DF, v9  }
0xf2: {  	v9 =	vmul.f32 v8, v10;
	_ =	sdelay $0x1  }
0xf3: {  	v9 =	vmul.f32 v8, v9;
	_ =	sdelay $0x1  }
0xf4: {  	v9 =	vadd.f32 $1.500000000e+00, v9;
	_ =	sdelay $0x1  }
0xf5: {  	v8 =	vmul.f32 v8, v9;
	_ =	sdelay $0x1  }
0xf6: {  	v9 =	vmul.f32 v8, v10;
	_ =	sdelay $0x1  }
0xf7: {  	v9 =	vmul.f32 v9, v8;
	_ =	sdelay $0x1  }
0xf8: {  	v9 =	vadd.f32 $1.500000000e+00, v9;
	_ =	sdelay $0x1  }
.Ltmp1:
0xf9: {  	v8 =	vmul.f32 v9, v8;
	(pc) =	sbr.rel @p0 .LBB2_4-.Ltmp1, $3  }
0xfa: {  	_ = 	snop  }
0xfb: {  	v9 =	vmul.f32 v8, v10;
	_ =	sdelay $0x1  }
0xfc: {  	v9 =	vmul.f32 v9, v8  }
0xfd: {  	_ = 	snop  }
0xfe: {  	v9 =	vadd.f32 $1.500000000e+00, v9;
	_ =	sdelay $0x1  }
0xff: {  	v8 =	vmul.f32 v9, v8;
	_ =	sdelay $0x1  }
0x100: {  	v4 =	vmul.f32 v8, v4  }
0x101: {  	v5 =	vmul.f32 v8, v5  }
0x102: {  	v7 =	vmul.f32 v8, v7;
	[tilespmem:s12+$0x8600] =	vst v4  }
0x103: {  	v4 =	vmul.f32 v8, v6;
	[tilespmem:s12+$0x8610] =	vst v5  }
0x104: {  	[tilespmem:s12+$0x8630] =	vst v7  }
0x105: {  	[tilespmem:s12+$0x8620] =	vst v4  }
0x106: {  	_ =	swait.ge [sflag:s21], $0x2000  }
0x107: {  	[sflag:s21] =	ssyncset.done $0x0  }
0x108: {  	[sflag:s21] =	ssyncadd.s32 $0xFFFFE000  }
0x109: {  	_ =	swait.ge [sflag:s21], $0x2000  }
0x10a: {  	[sflag:s21] =	ssyncset.done $0x0  }
0x10b: {  	[sflag:s21] =	ssyncadd.s32 $0xFFFFE000  }
0x10c: {  	_ =	swait.ge [sflag:s21], $0x2000  }
0x10d: {  	[sflag:s21] =	ssyncset.done $0x0  }
0x10e: {  	[sflag:s21] =	ssyncadd.s32 $0xFFFFE000  }
0x10f: {  	_ =	swait.ge [sflag:s21], $0x2000  }
0x110: {  	[sflag:s21] =	ssyncset.done $0x0  }
0x111: {  	s12 =	simm.s32 $0x0;
	[sflag:s21] =	ssyncadd.s32 $0xFFFFE000  }
0x112: {  	v4 =	vld [tilespmem:s12+$0x10600]  }
0x113: {  	v5 =	vld [tilespmem:s12+$0x10610];
	_ =	sdelay $0x1  }
0x114: {  	v6 =	vld [tilespmem:s12+$0x10620];
	_ =	sdelay $0x1  }
0x115: {  	v7 =	vld [tilespmem:s12+$0x10630]  }
0x116: {  	v8 =	vmul.f32 v4, v4;
	v9 =	vmul.f32 v5, v5;
	_ =	sdelay $0x1  }
0x117: {  	v8 =	vadd.f32 v9, v8;
	v9 =	vmul.f32 v6, v6;
	_ =	sdelay $0x1  }
0x118: {  	v8 =	vadd.f32 v9, v8;
	v9 =	vmul.f32 v7, v7;
	_ =	sdelay $0x1  }
0x119: {  	v8 =	vadd.f32 v9, v8;
	_ =	sdelay $0x1  }
0x11a: {  	v9 =	vperm.xlane v8, v0;
	_ =	sdelay $0x1  }
0x11b: {  	v8 =	vadd.f32 v8, v9;
	_ =	sdelay $0x1  }
0x11c: {  	v9 =	vperm.xlane v8, v1;
	_ =	sdelay $0x1  }
0x11d: {  	v8 =	vadd.f32 v8, v9;
	_ =	sdelay $0x1  }
0x11e: {  	v9 =	vperm.xlane v8, v2;
	_ =	sdelay $0x1  }
0x11f: {  	v8 =	vadd.f32 v8, v9;
	_ =	sdelay $0x1  }
0x120: {  	v9 =	vperm.xlane v8, v3;
	_ =	sdelay $0x1  }
0x121: {  	v8 =	vadd.f32 v8, v9;
	_ =	sdelay $0x1  }
0x122: {  	v9 =	vshra.s32 v8, $0x1;
	v10 =	vmul.f32 $-5.000000000e-01, v8  }
0x123: {  	v8 =	vsub.s32 $0x5F3759DF, v9  }
0x124: {  	v9 =	vmul.f32 v8, v10;
	_ =	sdelay $0x1  }
0x125: {  	v9 =	vmul.f32 v8, v9;
	_ =	sdelay $0x1  }
0x126: {  	v9 =	vadd.f32 $1.500000000e+00, v9;
	_ =	sdelay $0x1  }
0x127: {  	v8 =	vmul.f32 v8, v9;
	_ =	sdelay $0x1  }
0x128: {  	v9 =	vmul.f32 v8, v10;
	_ =	sdelay $0x1  }
0x129: {  	v9 =	vmul.f32 v9, v8;
	_ =	sdelay $0x1  }
0x12a: {  	v9 =	vadd.f32 $1.500000000e+00, v9;
	_ =	sdelay $0x1  }
0x12b: {  	v8 =	vmul.f32 v9, v8;
	_ =	sdelay $0x1  }
0x12c: {  	v9 =	vmul.f32 v8, v10;
	_ =	sdelay $0x1  }
0x12d: {  	s23 =	simm.s32 $0x100;
	v9 =	vmul.f32 v9, v8  }
.LBB2_6:
0x12e: {  	_ = 	snop  }
0x12f: {  	p0 =	sne.s32 s23, $0x1FF00;
	s13 =	smov.u32 s23;
	s23 =	sadd.s32 $0x100, s23;
	v9 =	vadd.f32 $1.500000000e+00, v9  }
0x130: {  	s13 =	sshra.s32 s13, $0x2  }
0x131: {  	v8 =	vmul.f32 v9, v8;
	_ =	sdelay $0x1  }
0x132: {  	v4 =	vmul.f32 v8, v4;
	v5 =	vmul.f32 v8, v5  }
0x133: {  	v6 =	vmul.f32 v8, v6;
	v7 =	vmul.f32 v8, v7  }
0x134: {  	[tilespmem:s12+$0x10600] =	vst v4  }
0x135: {  	v4 =	vld [tilespmem:s13+$0x10600];
	[tilespmem:s12+$0x10610] =	vst v5  }
0x136: {  	v5 =	vld [tilespmem:s13+$0x10610];
	[tilespmem:s12+$0x10630] =	vst v7  }
0x137: {  	[tilespmem:s12+$0x10620] =	vst v6;
	s12 =	smov.u32 s13  }
0x138: {  	v6 =	vld [tilespmem:s12+$0x10620];
	_ =	sdelay $0x1  }
0x139: {  	v7 =	vld [tilespmem:s12+$0x10630]  }
0x13a: {  	v8 =	vmul.f32 v4, v4;
	v9 =	vmul.f32 v5, v5;
	_ =	sdelay $0x1  }
0x13b: {  	v8 =	vadd.f32 v9, v8;
	v9 =	vmul.f32 v6, v6;
	_ =	sdelay $0x1  }
0x13c: {  	v8 =	vadd.f32 v9, v8;
	v9 =	vmul.f32 v7, v7;
	_ =	sdelay $0x1  }
0x13d: {  	v8 =	vadd.f32 v9, v8;
	_ =	sdelay $0x1  }
0x13e: {  	v9 =	vperm.xlane v8, v0;
	_ =	sdelay $0x1  }
0x13f: {  	v8 =	vadd.f32 v8, v9;
	_ =	sdelay $0x1  }
0x140: {  	v9 =	vperm.xlane v8, v1;
	_ =	sdelay $0x1  }
0x141: {  	v8 =	vadd.f32 v8, v9;
	_ =	sdelay $0x1  }
0x142: {  	v9 =	vperm.xlane v8, v2;
	_ =	sdelay $0x1  }
0x143: {  	v8 =	vadd.f32 v8, v9;
	_ =	sdelay $0x1  }
0x144: {  	v9 =	vperm.xlane v8, v3;
	_ =	sdelay $0x1  }
0x145: {  	v8 =	vadd.f32 v8, v9;
	_ =	sdelay $0x1  }
0x146: {  	v9 =	vshra.s32 v8, $0x1;
	v10 =	vmul.f32 $-5.000000000e-01, v8  }
0x147: {  	v8 =	vsub.s32 $0x5F3759DF, v9  }
0x148: {  	v9 =	vmul.f32 v8, v10;
	_ =	sdelay $0x1  }
0x149: {  	v9 =	vmul.f32 v8, v9;
	_ =	sdelay $0x1  }
0x14a: {  	v9 =	vadd.f32 $1.500000000e+00, v9;
	_ =	sdelay $0x1  }
0x14b: {  	v8 =	vmul.f32 v8, v9;
	_ =	sdelay $0x1  }
0x14c: {  	v9 =	vmul.f32 v8, v10;
	_ =	sdelay $0x1  }
0x14d: {  	v9 =	vmul.f32 v9, v8;
	_ =	sdelay $0x1  }
0x14e: {  	v9 =	vadd.f32 $1.500000000e+00, v9;
	_ =	sdelay $0x1  }
.Ltmp2:
0x14f: {  	v8 =	vmul.f32 v9, v8;
	(pc) =	sbr.rel @p0 .LBB2_6-.Ltmp2, $3  }
0x150: {  	_ = 	snop  }
0x151: {  	v9 =	vmul.f32 v8, v10;
	_ =	sdelay $0x1  }
0x152: {  	v9 =	vmul.f32 v9, v8  }
0x153: {  	_ = 	snop  }
0x154: {  	v9 =	vadd.f32 $1.500000000e+00, v9;
	_ =	sdelay $0x1  }
0x155: {  	v8 =	vmul.f32 v9, v8;
	_ =	sdelay $0x1  }
0x156: {  	v4 =	vmul.f32 v8, v4  }
0x157: {  	v5 =	vmul.f32 v8, v5  }
0x158: {  	v7 =	vmul.f32 v8, v7;
	[tilespmem:s12+$0x10600] =	vst v4  }
0x159: {  	v4 =	vmul.f32 v8, v6;
	[tilespmem:s12+$0x10610] =	vst v5  }
0x15a: {  	[tilespmem:s12+$0x10630] =	vst v7  }
0x15b: {  	[tilespmem:s12+$0x10620] =	vst v4  }
0x15c: {  	_ =	swait.ge [sflag:s11], $0x80  }
0x15d: {  	[sflag:s11] =	ssyncset.done $0x0  }
0x15e: {  	[sflag:s11] =	ssyncadd.s32 $0xFFFFFF80  }
0x15f: {  	_ =	swait.ge [sflag:s11], $0x80  }
0x160: {  	[sflag:s11] =	ssyncset.done $0x0  }
0x161: {  	[sflag:s11] =	ssyncadd.s32 $0xFFFFFF80  }
0x162: {  	_ =	swait.ge [sflag:s11], $0x80  }
0x163: {  	[sflag:s11] =	ssyncset.done $0x0  }
0x164: {  	[sflag:s11] =	ssyncadd.s32 $0xFFFFFF80  }
0x165: {  	_ =	swait.ge [sflag:s11], $0x80  }
0x166: {  	[sflag:s11] =	ssyncset.done $0x0  }
0x167: {  	[sflag:s11] =	ssyncadd.s32 $0xFFFFFF80  }
0x168: {  	_ =	swait.ge [sflag:s11], $0x80  }
0x169: {  	[sflag:s11] =	ssyncset.done $0x0  }
0x16a: {  	[sflag:s11] =	ssyncadd.s32 $0xFFFFFF80  }
0x16b: {  	_ =	swait.ge [sflag:s11], $0x80  }
0x16c: {  	[sflag:s11] =	ssyncset.done $0x0  }
0x16d: {  	[sflag:s11] =	ssyncadd.s32 $0xFFFFFF80  }
0x16e: {  	_ =	swait.ge [sflag:s11], $0x80  }
0x16f: {  	[sflag:s11] =	ssyncset.done $0x0  }
0x170: {  	[sflag:s11] =	ssyncadd.s32 $0xFFFFFF80  }
0x171: {  	_ =	swait.ge [sflag:s11], $0x80  }
0x172: {  	[sflag:s11] =	ssyncset.done $0x0  }
0x173: {  	[sflag:s11] =	ssyncadd.s32 $0xFFFFFF80  }
0x174: {  	_ =	swait.ge [sflag:s11], $0x80  }
0x175: {  	[sflag:s11] =	ssyncset.done $0x0  }
0x176: {  	[sflag:s11] =	ssyncadd.s32 $0xFFFFFF80  }
0x177: {  	_ =	swait.ge [sflag:s11], $0x80  }
0x178: {  	[sflag:s11] =	ssyncset.done $0x0  }
0x179: {  	[sflag:s11] =	ssyncadd.s32 $0xFFFFFF80  }
0x17a: {  	_ =	swait.ge [sflag:s11], $0x80  }
0x17b: {  	[sflag:s11] =	ssyncset.done $0x0  }
0x17c: {  	[sflag:s11] =	ssyncadd.s32 $0xFFFFFF80  }
0x17d: {  	_ =	swait.ge [sflag:s11], $0x80  }
0x17e: {  	[sflag:s11] =	ssyncset.done $0x0  }
0x17f: {  	s13 =	simm.s32 $0x600;
	s23 =	rddreg [dreg:$0xe];
	[sflag:s11] =	ssyncadd.s32 $0xFFFFFF80  }
0x180: {  	[hbm4b:s23+s3] =	stream.linear.scatter [tilespmem:s13], [sflag:$0x5], $0x8000, $0x38;
	[tilespmem:$0x18C00] =	vst v63  }
0x181: {  	_ =	swait.ge [sflag:s17], $0x8000  }
0x182: {  	[sflag:s17] =	ssyncset.done $0x0  }
0x183: {  	s23 =	simm.s32 $0x8600;
	s24 =	rddreg [dreg:$0xf];
	[sflag:s17] =	ssyncadd.s32 $0xFFFF8000  }
0x184: {  	[hbm4b:s24+s3] =	stream.linear.scatter [tilespmem:s23], [sflag:$0x5], $0x8000, $0x38;
	[tilespmem:$0x18C00] =	vst v63  }
0x185: {  	_ =	swait.ge [sflag:s17], $0x8000  }
0x186: {  	[sflag:s17] =	ssyncset.done $0x0  }
0x187: {  	s24 =	simm.s32 $0x10600;
	s14 =	rddreg [dreg:$0x10];
	[sflag:s17] =	ssyncadd.s32 $0xFFFF8000  }
0x188: {  	[hbm4b:s14+s3] =	stream.linear.scatter [tilespmem:s24], [sflag:$0x5], $0x8000, $0x38;
	[tilespmem:$0x18C00] =	vst v63  }
0x189: {  	_ =	swait.ge [sflag:s17], $0x8000  }
0x18a: {  	[sflag:s17] =	ssyncset.done $0x0  }
0x18b: {  	s14 =	simm.s32 $0x18600;
	s12 =	rddreg [dreg:$0x11];
	[sflag:s17] =	ssyncadd.s32 $0xFFFF8000  }
0x18c: {  	[hbm4b:s12+s3] =	stream.linear.scatter [tilespmem:s14], [sflag:$0x5], $0x200, $0x38;
	[tilespmem:$0x18C00] =	vst v63  }
0x18d: {  	_ =	swait.ge [sflag:s17], $0x200  }
0x18e: {  	[sflag:s17] =	ssyncset.done $0x0  }
0x18f: {  	s14 =	rddreg [dreg:$0x12];
	[sflag:s17] =	ssyncadd.s32 $0xFFFFFE00  }
0x190: {  	[hbm4b:s14+s3] =	stream.linear.scatter [tilespmem:s25], [sflag:$0x5], $0x200, $0x38;
	[tilespmem:$0x18C00] =	vst v63  }
0x191: {  	s22 =	sadd.s32 $0x1, s22;
	_ =	swait.ge [sflag:s17], $0x200  }
0x192: {  	p0 =	sne.s32 s22, s16;
	[sflag:s17] =	ssyncset.done $0x0  }
.Ltmp3:
0x193: {  	[sflag:s17] =	ssyncadd.s32 $0xFFFFFE00;
	(pc) =	sbr.rel @p0 .LBB2_1-.Ltmp3, $4  }
0x194: {  	[hbm4b:s15+s3] =	stream.linear.scatter [tilespmem:s26], [sflag:$0x5], $0x200, $0x38;
	[tilespmem:$0x18C00] =	vst v63  }
0x195: {  	_ =	swait.ge [sflag:s17], $0x200  }
0x196: {  	[sflag:s17] =	ssyncset.done $0x0  }
0x197: {  	[sflag:s17] =	ssyncadd.s32 $0xFFFFFE00  }
0x198: {  	_ =	sfence.sel $0x180000  }
0x199: {  	[bflag:$0x0] =	sbarrier.arrive $0xFFFF  }
0x19a: {  	_ =	strace $0x90000047  }
0x19b: {  	s0 =	stileid.u32;
	[bflag:$0x2] =	sbarrier.arrive $0xFFFF  }
0x19c: {  	p0 =	sne.s32 s0, $0x0;
	s0 =	rddreg [dreg:$0xa]  }
0x19d: {  	s0 =	sadd.s32 @!p0 $0x100000, s0  }
0x19e: {  	[sflag:s0] =	ssyncadd.tile.s32 @!p0 $0x1;
	_ =	shalt  }
.Lfunc_end2:
_tile_overlayer_lowered:
.L_overlay_start_2:
0x19f: {  	(tag) =	ssettag $0x2  }
0x1a0: {  	s0 =	rddreg [dreg:$0x0];
	s2 =	stileid.u32  }
0x1a1: {  	s1 =	rddreg [dreg:$0x1];
	p0 =	sne.s32 s2, $0x0  }
0x1a2: {  	s3 =	rddreg [dreg:$0x2];
	[bflag:$0x3] =	sbarrier.arrive $0xFFFF;
	s2 =	simm.s32 @!p0 $0x1C05  }
0x1a3: {  	[timem:s3], [sflag:s2] =	dma.local @!p0 [hbm:s0], s1  }
0x1a4: {  	s0 =	simm.s32 @!p0 $0x5  }
0x1a5: {  	_ =	swait.ge @!p0 [sflag:s0], s1  }
0x1a6: {  	s1 =	ssub.s32 @!p0 $0x0, s1;
	[sflag:s0] =	ssyncset.done @!p0 $0x0  }
0x1a7: {  	[sflag:s0] =	ssyncadd.s32 @!p0 s1  }
0x1a8: {  	[bflag:$0x3] =	sbarrier.arrive $0xFFFF  }
0x1a9: {  	_ =	shalt  }

</sc_bundles>
